<compile_context>
chip_gen: v7x
topology: tpu7x:2x2x1
jax: 0.10.2.dev20260603
libtpu: 0.0.44.dev20260713+nightly
codegen_flags: <defaults>
</compile_context>

<pallas_src>
import functools

import jax
import jax.numpy as jnp
from jax import lax
from jax.experimental import pallas as pl
from jax.experimental.pallas import tpu as pltpu
from jax.experimental.pallas import tpu_sc as plsc

EMBED_DIM = 32

NUM_CORES = 2
NUM_SUBCORES = 16
NUM_WORKERS = NUM_CORES * NUM_SUBCORES

LANES = 16
DT = EMBED_DIM // 8


def _make_kernel(R: int, F: int):
    GB = R // NUM_WORKERS
    WBT = GB // 128
    BT = R // 128

    mesh = plsc.VectorSubcoreMesh(
        core_axis_name="c", subcore_axis_name="s", num_cores=NUM_CORES
    )

    @functools.partial(
        pl.kernel,
        mesh=mesh,
        out_type=jax.ShapeDtypeStruct((F, DT, BT, 8, 128), jnp.float32),
        scratch_types=[
            pltpu.VMEM((F, GB), jnp.int32),
            pltpu.VMEM((GB, EMBED_DIM), jnp.float32),
            pltpu.VMEM((GB, EMBED_DIM), jnp.float32),
            pltpu.VMEM((DT, WBT, 8, 128), jnp.float32),
            pltpu.VMEM((DT, WBT, 8, 128), jnp.float32),
            pltpu.SemaphoreType.DMA,
            pltpu.SemaphoreType.DMA,
            pltpu.SemaphoreType.DMA,
            pltpu.SemaphoreType.DMA,
        ],
        compiler_params=pltpu.CompilerParams(
            use_tc_tiling_on_sc=False, needs_layout_passes=False
        ),
    )
    def k(table_hbm, xt_hbm, out_hbm, xv, g0, g1, t0, t1, gs0, gs1, ws0, ws1):
        wid = lax.axis_index("s") * NUM_CORES + lax.axis_index("c")
        b0 = wid * GB
        pltpu.sync_copy(xt_hbm.at[:, pl.ds(b0, GB)], xv)

        gbuf = (g0, g1)
        tbuf = (t0, t1)
        gsem = (gs0, gs1)
        wsem = (ws0, ws1)
        iota16 = lax.iota(jnp.int32, 16)
        qrow = [q * LANES + iota16 for q in range(128 // LANES)]

        def gather_desc(f, b):
            return pltpu.make_async_copy(
                table_hbm.at[xv.at[f]], gbuf[b], gsem[b]
            )

        def write_descs(f, b):
            return [
                pltpu.make_async_copy(
                    tbuf[b].at[dt],
                    out_hbm.at[f, dt, pl.ds(wid * WBT, WBT)],
                    wsem[b],
                )
                for dt in range(DT)
            ]

        gather_desc(0, 0).start()

        @pl.loop(0, F // 2)
        def _(s):
            for b in range(2):
                f = s * 2 + b

                @pl.when(f + 1 < F)
                def _():
                    gather_desc(f + 1, b ^ 1).start()

                gather_desc(f, b).wait()

                @pl.when(f >= 2)
                def _():
                    for d in write_descs(f - 2, b):
                        d.wait()

                for bt in range(WBT):
                    btsplat = jnp.full((LANES,), bt, jnp.int32)
                    btq = [bt * 128 + qrow[q] for q in range(128 // LANES)]

                    @pl.loop(0, EMBED_DIM)
                    def _(d0):
                        dvec = (d0 + iota16) & (EMBED_DIM - 1)
                        dtv = dvec >> 3
                        ddv = dvec & 7
                        for q in range(128 // LANES):
                            vec = plsc.load_gather(gbuf[b], [btq[q], dvec])
                            plsc.store_scatter(
                                tbuf[b], [dtv, btsplat, ddv, qrow[q]], vec
                            )

                for d in write_descs(f, b):
                    d.start()

        for d in write_descs(F - 2, 0):
            d.wait()
        for d in write_descs(F - 1, 1):
            d.wait()

    return k


def kernel(x, table):
    R, F = x.shape
    xt = jnp.transpose(x).astype(jnp.int32)
    out5 = _make_kernel(R, F)(table, xt)
    return out5.transpose(0, 1, 3, 2, 4).reshape(F, EMBED_DIM, R).transpose(2, 0, 1)

# --- scband reference (transcript-rebuilt; emitter-appended) ---
"""Pipeline reference for scband-sector-embedding-41429254537589 (READ-ONLY COPY).

The authoritative reference and input builder live on the scoring server;
editing this copy changes nothing except your own understanding.
"""

import jax, jax.numpy as jnp
import numpy as np

N_SECTOR = 100000
EMBED_DIM = 32

def setup_inputs(seed: int = 0) -> dict:
    key = jax.random.key(seed)
    k1, k2 = jax.random.split(key)
    x = jax.random.randint(k1, (16384, 26), 0, N_SECTOR, dtype=jnp.int64 if jax.config.jax_enable_x64 else jnp.int32)
    # Embedding table (learned parameter), Keras default uniform init
    table = jax.random.uniform(k2, (N_SECTOR, EMBED_DIM), dtype=jnp.float32, minval=-0.05, maxval=0.05)
    return {"x": x, "table": table}

def reference(x, table):
    # Faithful translation of layers.Embedding lookup: out[b, f, :] = table[x[b, f], :]
    return jnp.take(table, x, axis=0)

if __name__ == "__main__":
    import jax
    _d = setup_inputs()
    print(jax.jit(kernel)(*tuple(_d.values())))

</pallas_src>

<mosaic_0001>
#map = affine_map<(d0, d1) -> (0, 0)>
#map1 = affine_map<(d0, d1) -> (0, 0, 0, 0, 0)>
module attributes {stable_mosaic.version = 14 : i64} {
  func.func @k(%arg0: i32, %arg1: i32, %arg2: memref<100000x32xf32, #tpu.memory_space<hbm>>, %arg3: memref<26x16384xi32, #tpu.memory_space<hbm>>, %arg4: memref<26x4x128x8x128xf32, #tpu.memory_space<hbm>>, %arg5: memref<26x512xi32, #tpu.memory_space<vmem>>, %arg6: memref<512x32xf32, #tpu.memory_space<vmem>>, %arg7: memref<512x32xf32, #tpu.memory_space<vmem>>, %arg8: memref<4x4x8x128xf32, #tpu.memory_space<vmem>>, %arg9: memref<4x4x8x128xf32, #tpu.memory_space<vmem>>, %arg10: memref<!tpu.dma_semaphore, #tpu.memory_space<semaphore_mem>>, %arg11: memref<!tpu.dma_semaphore, #tpu.memory_space<semaphore_mem>>, %arg12: memref<!tpu.dma_semaphore, #tpu.memory_space<semaphore_mem>>, %arg13: memref<!tpu.dma_semaphore, #tpu.memory_space<semaphore_mem>>) attributes {dimension_semantics = [#tpu.dimension_semantics<core_parallel>, #tpu.dimension_semantics<subcore_parallel>], iteration_bounds = array<i64: 2, 16>, scalar_prefetch = 0 : i64, scratch_operands = 9 : i64, tpu.core_type = #tpu.core_type<sc_vector_subcore>, window_params = [{transform_indices = #map}, {transform_indices = #map}, {transform_indices = #map1}]} {
    %mul3A = arith.constant 2 : i32
    %mul3A_0 = arith.muli %arg1, %mul3A : i32
    %add3A = arith.addi %mul3A_0, %arg0 : i32
    %mul3A_1 = arith.constant 512 : i32
    %mul3A_2 = arith.muli %add3A, %mul3A_1 : i32
    "tpu.region"() ({
      %run_scoped3A = tpu.sem_alloc : memref<!tpu.dma_semaphore, #tpu.memory_space<semaphore_mem>>
      %dma_start3A_220 = arith.constant 0 : i32
      %dma_start3A_221 = tpu.memref_slice %arg3[%dma_start3A_220, %mul3A_2] : memref<26x16384xi32, #tpu.memory_space<hbm>> -> memref<26x512xi32, #tpu.memory_space<hbm>>
      %dma_start3A_222 = arith.constant 0 : i32
      %dma_start3A_223 = tpu.memref_slice %arg3[%dma_start3A_222, %mul3A_2] : memref<26x16384xi32, #tpu.memory_space<hbm>> -> memref<26x512xi32, #tpu.memory_space<hbm>>
      tpu.enqueue_dma source(%dma_start3A_223 : memref<26x512xi32, #tpu.memory_space<hbm>>) target(%arg5 : memref<26x512xi32, #tpu.memory_space<vmem>>) target_semaphore(%run_scoped3A : memref<!tpu.dma_semaphore, #tpu.memory_space<semaphore_mem>>)
      %dma_wait3A_224 = arith.constant 0 : i32
      %dma_wait3A_225 = tpu.memref_slice %arg3[%dma_wait3A_224, %mul3A_2] : memref<26x16384xi32, #tpu.memory_space<hbm>> -> memref<26x512xi32, #tpu.memory_space<hbm>>
      %dma_wait3A_226 = arith.constant 0 : i32
      %dma_wait3A_227 = tpu.memref_slice %arg3[%dma_wait3A_226, %mul3A_2] : memref<26x16384xi32, #tpu.memory_space<hbm>> -> memref<26x512xi32, #tpu.memory_space<hbm>>
      tpu.wait_dma2 semaphore(%run_scoped3A : memref<!tpu.dma_semaphore, #tpu.memory_space<semaphore_mem>>) src(%dma_wait3A_227 : memref<26x512xi32, #tpu.memory_space<hbm>>) dst(%arg5 : memref<26x512xi32, #tpu.memory_space<vmem>>)
      tpu.yield
    }) : () -> ()
    %iota3A = tpu.iota {dimensions = array<i32: 0>} : vector<16xi32>
    %add3A_3 = arith.constant 0 : i32
    %add3A_4 = vector.broadcast %add3A_3 : i32 to vector<16xi32>
    %add3A_5 = arith.addi %add3A_4, %iota3A : vector<16xi32>
    %add3A_6 = arith.constant 16 : i32
    %add3A_7 = vector.broadcast %add3A_6 : i32 to vector<16xi32>
    %add3A_8 = arith.addi %add3A_7, %iota3A : vector<16xi32>
    %add3A_9 = arith.constant 32 : i32
    %add3A_10 = vector.broadcast %add3A_9 : i32 to vector<16xi32>
    %add3A_11 = arith.addi %add3A_10, %iota3A : vector<16xi32>
    %add3A_12 = arith.constant 48 : i32
    %add3A_13 = vector.broadcast %add3A_12 : i32 to vector<16xi32>
    %add3A_14 = arith.addi %add3A_13, %iota3A : vector<16xi32>
    %add3A_15 = arith.constant 64 : i32
    %add3A_16 = vector.broadcast %add3A_15 : i32 to vector<16xi32>
    %add3A_17 = arith.addi %add3A_16, %iota3A : vector<16xi32>
    %add3A_18 = arith.constant 80 : i32
    %add3A_19 = vector.broadcast %add3A_18 : i32 to vector<16xi32>
    %add3A_20 = arith.addi %add3A_19, %iota3A : vector<16xi32>
    %add3A_21 = arith.constant 96 : i32
    %add3A_22 = vector.broadcast %add3A_21 : i32 to vector<16xi32>
    %add3A_23 = arith.addi %add3A_22, %iota3A : vector<16xi32>
    %add3A_24 = arith.constant 112 : i32
    %add3A_25 = vector.broadcast %add3A_24 : i32 to vector<16xi32>
    %add3A_26 = arith.addi %add3A_25, %iota3A : vector<16xi32>
    %dma_start3A = arith.constant 0 : i32
    %dma_start3A_27 = arith.constant 0 : i32
    %dma_start3A_28 = tpu.memref_slice %arg5[%dma_start3A, %dma_start3A_27] : memref<26x512xi32, #tpu.memory_space<vmem>> -> memref<1x512xi32, #tpu.memory_space<vmem>>
    %dma_start3A_29 = tpu.memref_squeeze %dma_start3A_28 : memref<1x512xi32, #tpu.memory_space<vmem>> -> memref<512xi32, #tpu.memory_space<vmem>>
    %dma_start3A_30 = arith.constant 0 : i32
    %dma_start3A_31 = arith.constant 0 : i32
    %dma_start3A_32 = tpu.memref_slice %arg2[%dma_start3A_30, %dma_start3A_31] : memref<100000x32xf32, #tpu.memory_space<hbm>> -> memref<100000x32xf32, #tpu.memory_space<hbm>>
    tpu.enqueue_indirect_dma source(%dma_start3A_32 : memref<100000x32xf32, #tpu.memory_space<hbm>>) target(%arg6 : memref<512x32xf32, #tpu.memory_space<vmem>>) offsets(%dma_start3A_29 : memref<512xi32, #tpu.memory_space<vmem>>) semaphore(%arg10 : memref<!tpu.dma_semaphore, #tpu.memory_space<semaphore_mem>>)
    %scan3A = arith.constant 0 : i32
    %scan3A_33 = arith.constant 13 : i32
    %scan3A_34 = arith.addi %scan3A, %scan3A_33 : i32
    %scan3A_35 = arith.constant 1 : i32
    scf.for %scan3A_220 = %scan3A to %scan3A_34 step %scan3A_35  : i32 {
      %mul3A_221 = arith.constant 1 : i32
      %mul3A_222 = arith.muli %scan3A_220, %mul3A_221 : i32
      %add3A_223 = arith.constant 0 : i32
      %add3A_224 = arith.addi %add3A_223, %mul3A_222 : i32
      %mul3A_225 = arith.constant 2 : i32
      %mul3A_226 = arith.muli %add3A_224, %mul3A_225 : i32
      %add3A_227 = arith.constant 0 : i32
      %add3A_228 = arith.addi %mul3A_226, %add3A_227 : i32
      %add3A_229 = arith.constant 1 : i32
      %add3A_230 = arith.addi %add3A_228, %add3A_229 : i32
      %lt3A = arith.constant 26 : i32
      %lt3A_231 = arith.cmpi slt, %add3A_230, %lt3A : i32
      %convert_element_type3A = arith.extui %lt3A_231 : i1 to i32
      %cond3A = arith.constant 0 : i32
      %cond3A_232 = arith.cmpi ne, %convert_element_type3A, %cond3A : i32
      scf.if %cond3A_232 {
        %add3A_688 = arith.constant 1 : i32
        %add3A_689 = arith.addi %add3A_228, %add3A_688 : i32
        %dma_start3A_690 = arith.constant 0 : i32
        %dma_start3A_691 = tpu.memref_slice %arg5[%add3A_689, %dma_start3A_690] : memref<26x512xi32, #tpu.memory_space<vmem>> -> memref<1x512xi32, #tpu.memory_space<vmem>>
        %dma_start3A_692 = tpu.memref_squeeze %dma_start3A_691 : memref<1x512xi32, #tpu.memory_space<vmem>> -> memref<512xi32, #tpu.memory_space<vmem>>
        %dma_start3A_693 = arith.constant 0 : i32
        %dma_start3A_694 = arith.constant 0 : i32
        %dma_start3A_695 = tpu.memref_slice %arg2[%dma_start3A_693, %dma_start3A_694] : memref<100000x32xf32, #tpu.memory_space<hbm>> -> memref<100000x32xf32, #tpu.memory_space<hbm>>
        tpu.enqueue_indirect_dma source(%dma_start3A_695 : memref<100000x32xf32, #tpu.memory_space<hbm>>) target(%arg7 : memref<512x32xf32, #tpu.memory_space<vmem>>) offsets(%dma_start3A_692 : memref<512xi32, #tpu.memory_space<vmem>>) semaphore(%arg11 : memref<!tpu.dma_semaphore, #tpu.memory_space<semaphore_mem>>)
      } else {
      }
      %dma_wait3A_233 = arith.constant 0 : i32
      %dma_wait3A_234 = tpu.memref_slice %arg5[%add3A_228, %dma_wait3A_233] : memref<26x512xi32, #tpu.memory_space<vmem>> -> memref<1x512xi32, #tpu.memory_space<vmem>>
      %dma_wait3A_235 = tpu.memref_squeeze %dma_wait3A_234 : memref<1x512xi32, #tpu.memory_space<vmem>> -> memref<512xi32, #tpu.memory_space<vmem>>
      %dma_wait3A_236 = arith.constant 0 : i32
      %dma_wait3A_237 = arith.constant 0 : i32
      %dma_wait3A_238 = tpu.memref_slice %arg2[%dma_wait3A_236, %dma_wait3A_237] : memref<100000x32xf32, #tpu.memory_space<hbm>> -> memref<100000x32xf32, #tpu.memory_space<hbm>>
      tpu.wait_indirect_dma semaphore(%arg10 : memref<!tpu.dma_semaphore, #tpu.memory_space<semaphore_mem>>) src(%dma_wait3A_238 : memref<100000x32xf32, #tpu.memory_space<hbm>>) dst(%arg6 : memref<512x32xf32, #tpu.memory_space<vmem>>)
      %ge3A = arith.constant 2 : i32
      %ge3A_239 = arith.cmpi sge, %add3A_228, %ge3A : i32
      %convert_element_type3A_240 = arith.extui %ge3A_239 : i1 to i32
      %cond3A_241 = arith.constant 0 : i32
      %cond3A_242 = arith.cmpi ne, %convert_element_type3A_240, %cond3A_241 : i32
      scf.if %cond3A_242 {
        %sub3A = arith.constant 2 : i32
        %sub3A_688 = arith.subi %add3A_228, %sub3A : i32
        %mul3A_689 = arith.constant 4 : i32
        %mul3A_690 = arith.muli %add3A, %mul3A_689 : i32
        %mul3A_691 = arith.constant 4 : i32
        %mul3A_692 = arith.muli %add3A, %mul3A_691 : i32
        %mul3A_693 = arith.constant 4 : i32
        %mul3A_694 = arith.muli %add3A, %mul3A_693 : i32
        %mul3A_695 = arith.constant 4 : i32
        %mul3A_696 = arith.muli %add3A, %mul3A_695 : i32
        %dma_wait3A_697 = arith.constant 0 : i32
        %dma_wait3A_698 = arith.constant 0 : i32
        %dma_wait3A_699 = arith.constant 0 : i32
        %dma_wait3A_700 = arith.constant 0 : i32
        %dma_wait3A_701 = arith.constant 0 : i32
        %dma_wait3A_702 = tpu.memref_slice %arg8[%dma_wait3A_697, %dma_wait3A_699, %dma_wait3A_700, %dma_wait3A_701] : memref<4x4x8x128xf32, #tpu.memory_space<vmem>> -> memref<1x4x8x128xf32, #tpu.memory_space<vmem>>
        %dma_wait3A_703 = tpu.memref_squeeze %dma_wait3A_702 : memref<1x4x8x128xf32, #tpu.memory_space<vmem>> -> memref<4x8x128xf32, #tpu.memory_space<vmem>>
        %dma_wait3A_704 = arith.constant 0 : i32
        %dma_wait3A_705 = arith.constant 0 : i32
        %dma_wait3A_706 = tpu.memref_slice %arg4[%sub3A_688, %dma_wait3A_698, %mul3A_690, %dma_wait3A_704, %dma_wait3A_705] : memref<26x4x128x8x128xf32, #tpu.memory_space<hbm>> -> memref<1x1x4x8x128xf32, #tpu.memory_space<hbm>>
        %dma_wait3A_707 = tpu.memref_squeeze %dma_wait3A_706 : memref<1x1x4x8x128xf32, #tpu.memory_space<hbm>> -> memref<4x8x128xf32, #tpu.memory_space<hbm>>
        %dma_wait3A_708 = arith.constant 0 : i32
        %dma_wait3A_709 = arith.constant 0 : i32
        %dma_wait3A_710 = tpu.memref_slice %arg4[%sub3A_688, %dma_wait3A_698, %mul3A_690, %dma_wait3A_708, %dma_wait3A_709] : memref<26x4x128x8x128xf32, #tpu.memory_space<hbm>> -> memref<1x1x4x8x128xf32, #tpu.memory_space<hbm>>
        %dma_wait3A_711 = tpu.memref_squeeze %dma_wait3A_710 : memref<1x1x4x8x128xf32, #tpu.memory_space<hbm>> -> memref<4x8x128xf32, #tpu.memory_space<hbm>>
        %dma_wait3A_712 = arith.constant 0 : i32
        %dma_wait3A_713 = arith.constant 0 : i32
        %dma_wait3A_714 = arith.constant 0 : i32
        %dma_wait3A_715 = tpu.memref_slice %arg8[%dma_wait3A_697, %dma_wait3A_712, %dma_wait3A_713, %dma_wait3A_714] : memref<4x4x8x128xf32, #tpu.memory_space<vmem>> -> memref<1x4x8x128xf32, #tpu.memory_space<vmem>>
        %dma_wait3A_716 = tpu.memref_squeeze %dma_wait3A_715 : memref<1x4x8x128xf32, #tpu.memory_space<vmem>> -> memref<4x8x128xf32, #tpu.memory_space<vmem>>
        tpu.wait_dma2 semaphore(%arg12 : memref<!tpu.dma_semaphore, #tpu.memory_space<semaphore_mem>>) src(%dma_wait3A_716 : memref<4x8x128xf32, #tpu.memory_space<vmem>>) dst(%dma_wait3A_711 : memref<4x8x128xf32, #tpu.memory_space<hbm>>)
        %dma_wait3A_717 = arith.constant 1 : i32
        %dma_wait3A_718 = arith.constant 1 : i32
        %dma_wait3A_719 = arith.constant 0 : i32
        %dma_wait3A_720 = arith.constant 0 : i32
        %dma_wait3A_721 = arith.constant 0 : i32
        %dma_wait3A_722 = tpu.memref_slice %arg8[%dma_wait3A_717, %dma_wait3A_719, %dma_wait3A_720, %dma_wait3A_721] : memref<4x4x8x128xf32, #tpu.memory_space<vmem>> -> memref<1x4x8x128xf32, #tpu.memory_space<vmem>>
        %dma_wait3A_723 = tpu.memref_squeeze %dma_wait3A_722 : memref<1x4x8x128xf32, #tpu.memory_space<vmem>> -> memref<4x8x128xf32, #tpu.memory_space<vmem>>
        %dma_wait3A_724 = arith.constant 0 : i32
        %dma_wait3A_725 = arith.constant 0 : i32
        %dma_wait3A_726 = tpu.memref_slice %arg4[%sub3A_688, %dma_wait3A_718, %mul3A_692, %dma_wait3A_724, %dma_wait3A_725] : memref<26x4x128x8x128xf32, #tpu.memory_space<hbm>> -> memref<1x1x4x8x128xf32, #tpu.memory_space<hbm>>
        %dma_wait3A_727 = tpu.memref_squeeze %dma_wait3A_726 : memref<1x1x4x8x128xf32, #tpu.memory_space<hbm>> -> memref<4x8x128xf32, #tpu.memory_space<hbm>>
        %dma_wait3A_728 = arith.constant 0 : i32
        %dma_wait3A_729 = arith.constant 0 : i32
        %dma_wait3A_730 = tpu.memref_slice %arg4[%sub3A_688, %dma_wait3A_718, %mul3A_692, %dma_wait3A_728, %dma_wait3A_729] : memref<26x4x128x8x128xf32, #tpu.memory_space<hbm>> -> memref<1x1x4x8x128xf32, #tpu.memory_space<hbm>>
        %dma_wait3A_731 = tpu.memref_squeeze %dma_wait3A_730 : memref<1x1x4x8x128xf32, #tpu.memory_space<hbm>> -> memref<4x8x128xf32, #tpu.memory_space<hbm>>
        %dma_wait3A_732 = arith.constant 0 : i32
        %dma_wait3A_733 = arith.constant 0 : i32
        %dma_wait3A_734 = arith.constant 0 : i32
        %dma_wait3A_735 = tpu.memref_slice %arg8[%dma_wait3A_717, %dma_wait3A_732, %dma_wait3A_733, %dma_wait3A_734] : memref<4x4x8x128xf32, #tpu.memory_space<vmem>> -> memref<1x4x8x128xf32, #tpu.memory_space<vmem>>
        %dma_wait3A_736 = tpu.memref_squeeze %dma_wait3A_735 : memref<1x4x8x128xf32, #tpu.memory_space<vmem>> -> memref<4x8x128xf32, #tpu.memory_space<vmem>>
        tpu.wait_dma2 semaphore(%arg12 : memref<!tpu.dma_semaphore, #tpu.memory_space<semaphore_mem>>) src(%dma_wait3A_736 : memref<4x8x128xf32, #tpu.memory_space<vmem>>) dst(%dma_wait3A_731 : memref<4x8x128xf32, #tpu.memory_space<hbm>>)
        %dma_wait3A_737 = arith.constant 2 : i32
        %dma_wait3A_738 = arith.constant 2 : i32
        %dma_wait3A_739 = arith.constant 0 : i32
        %dma_wait3A_740 = arith.constant 0 : i32
        %dma_wait3A_741 = arith.constant 0 : i32
        %dma_wait3A_742 = tpu.memref_slice %arg8[%dma_wait3A_737, %dma_wait3A_739, %dma_wait3A_740, %dma_wait3A_741] : memref<4x4x8x128xf32, #tpu.memory_space<vmem>> -> memref<1x4x8x128xf32, #tpu.memory_space<vmem>>
        %dma_wait3A_743 = tpu.memref_squeeze %dma_wait3A_742 : memref<1x4x8x128xf32, #tpu.memory_space<vmem>> -> memref<4x8x128xf32, #tpu.memory_space<vmem>>
        %dma_wait3A_744 = arith.constant 0 : i32
        %dma_wait3A_745 = arith.constant 0 : i32
        %dma_wait3A_746 = tpu.memref_slice %arg4[%sub3A_688, %dma_wait3A_738, %mul3A_694, %dma_wait3A_744, %dma_wait3A_745] : memref<26x4x128x8x128xf32, #tpu.memory_space<hbm>> -> memref<1x1x4x8x128xf32, #tpu.memory_space<hbm>>
        %dma_wait3A_747 = tpu.memref_squeeze %dma_wait3A_746 : memref<1x1x4x8x128xf32, #tpu.memory_space<hbm>> -> memref<4x8x128xf32, #tpu.memory_space<hbm>>
        %dma_wait3A_748 = arith.constant 0 : i32
        %dma_wait3A_749 = arith.constant 0 : i32
        %dma_wait3A_750 = tpu.memref_slice %arg4[%sub3A_688, %dma_wait3A_738, %mul3A_694, %dma_wait3A_748, %dma_wait3A_749] : memref<26x4x128x8x128xf32, #tpu.memory_space<hbm>> -> memref<1x1x4x8x128xf32, #tpu.memory_space<hbm>>
        %dma_wait3A_751 = tpu.memref_squeeze %dma_wait3A_750 : memref<1x1x4x8x128xf32, #tpu.memory_space<hbm>> -> memref<4x8x128xf32, #tpu.memory_space<hbm>>
        %dma_wait3A_752 = arith.constant 0 : i32
        %dma_wait3A_753 = arith.constant 0 : i32
        %dma_wait3A_754 = arith.constant 0 : i32
        %dma_wait3A_755 = tpu.memref_slice %arg8[%dma_wait3A_737, %dma_wait3A_752, %dma_wait3A_753, %dma_wait3A_754] : memref<4x4x8x128xf32, #tpu.memory_space<vmem>> -> memref<1x4x8x128xf32, #tpu.memory_space<vmem>>
        %dma_wait3A_756 = tpu.memref_squeeze %dma_wait3A_755 : memref<1x4x8x128xf32, #tpu.memory_space<vmem>> -> memref<4x8x128xf32, #tpu.memory_space<vmem>>
        tpu.wait_dma2 semaphore(%arg12 : memref<!tpu.dma_semaphore, #tpu.memory_space<semaphore_mem>>) src(%dma_wait3A_756 : memref<4x8x128xf32, #tpu.memory_space<vmem>>) dst(%dma_wait3A_751 : memref<4x8x128xf32, #tpu.memory_space<hbm>>)
        %dma_wait3A_757 = arith.constant 3 : i32
        %dma_wait3A_758 = arith.constant 3 : i32
        %dma_wait3A_759 = arith.constant 0 : i32
        %dma_wait3A_760 = arith.constant 0 : i32
        %dma_wait3A_761 = arith.constant 0 : i32
        %dma_wait3A_762 = tpu.memref_slice %arg8[%dma_wait3A_757, %dma_wait3A_759, %dma_wait3A_760, %dma_wait3A_761] : memref<4x4x8x128xf32, #tpu.memory_space<vmem>> -> memref<1x4x8x128xf32, #tpu.memory_space<vmem>>
        %dma_wait3A_763 = tpu.memref_squeeze %dma_wait3A_762 : memref<1x4x8x128xf32, #tpu.memory_space<vmem>> -> memref<4x8x128xf32, #tpu.memory_space<vmem>>
        %dma_wait3A_764 = arith.constant 0 : i32
        %dma_wait3A_765 = arith.constant 0 : i32
        %dma_wait3A_766 = tpu.memref_slice %arg4[%sub3A_688, %dma_wait3A_758, %mul3A_696, %dma_wait3A_764, %dma_wait3A_765] : memref<26x4x128x8x128xf32, #tpu.memory_space<hbm>> -> memref<1x1x4x8x128xf32, #tpu.memory_space<hbm>>
        %dma_wait3A_767 = tpu.memref_squeeze %dma_wait3A_766 : memref<1x1x4x8x128xf32, #tpu.memory_space<hbm>> -> memref<4x8x128xf32, #tpu.memory_space<hbm>>
        %dma_wait3A_768 = arith.constant 0 : i32
        %dma_wait3A_769 = arith.constant 0 : i32
        %dma_wait3A_770 = tpu.memref_slice %arg4[%sub3A_688, %dma_wait3A_758, %mul3A_696, %dma_wait3A_768, %dma_wait3A_769] : memref<26x4x128x8x128xf32, #tpu.memory_space<hbm>> -> memref<1x1x4x8x128xf32, #tpu.memory_space<hbm>>
        %dma_wait3A_771 = tpu.memref_squeeze %dma_wait3A_770 : memref<1x1x4x8x128xf32, #tpu.memory_space<hbm>> -> memref<4x8x128xf32, #tpu.memory_space<hbm>>
        %dma_wait3A_772 = arith.constant 0 : i32
        %dma_wait3A_773 = arith.constant 0 : i32
        %dma_wait3A_774 = arith.constant 0 : i32
        %dma_wait3A_775 = tpu.memref_slice %arg8[%dma_wait3A_757, %dma_wait3A_772, %dma_wait3A_773, %dma_wait3A_774] : memref<4x4x8x128xf32, #tpu.memory_space<vmem>> -> memref<1x4x8x128xf32, #tpu.memory_space<vmem>>
        %dma_wait3A_776 = tpu.memref_squeeze %dma_wait3A_775 : memref<1x4x8x128xf32, #tpu.memory_space<vmem>> -> memref<4x8x128xf32, #tpu.memory_space<vmem>>
        tpu.wait_dma2 semaphore(%arg12 : memref<!tpu.dma_semaphore, #tpu.memory_space<semaphore_mem>>) src(%dma_wait3A_776 : memref<4x8x128xf32, #tpu.memory_space<vmem>>) dst(%dma_wait3A_771 : memref<4x8x128xf32, #tpu.memory_space<hbm>>)
      } else {
      }
      %broadcast_in_dim3A = arith.constant 0 : i32
      %broadcast_in_dim3A_243 = vector.broadcast %broadcast_in_dim3A : i32 to vector<16xi32>
      %add3A_244 = arith.constant 0 : i32
      %add3A_245 = vector.broadcast %add3A_244 : i32 to vector<16xi32>
      %add3A_246 = arith.addi %add3A_245, %add3A_5 : vector<16xi32>
      %add3A_247 = arith.constant 0 : i32
      %add3A_248 = vector.broadcast %add3A_247 : i32 to vector<16xi32>
      %add3A_249 = arith.addi %add3A_248, %add3A_8 : vector<16xi32>
      %add3A_250 = arith.constant 0 : i32
      %add3A_251 = vector.broadcast %add3A_250 : i32 to vector<16xi32>
      %add3A_252 = arith.addi %add3A_251, %add3A_11 : vector<16xi32>
      %add3A_253 = arith.constant 0 : i32
      %add3A_254 = vector.broadcast %add3A_253 : i32 to vector<16xi32>
      %add3A_255 = arith.addi %add3A_254, %add3A_14 : vector<16xi32>
      %add3A_256 = arith.constant 0 : i32
      %add3A_257 = vector.broadcast %add3A_256 : i32 to vector<16xi32>
      %add3A_258 = arith.addi %add3A_257, %add3A_17 : vector<16xi32>
      %add3A_259 = arith.constant 0 : i32
      %add3A_260 = vector.broadcast %add3A_259 : i32 to vector<16xi32>
      %add3A_261 = arith.addi %add3A_260, %add3A_20 : vector<16xi32>
      %add3A_262 = arith.constant 0 : i32
      %add3A_263 = vector.broadcast %add3A_262 : i32 to vector<16xi32>
      %add3A_264 = arith.addi %add3A_263, %add3A_23 : vector<16xi32>
      %add3A_265 = arith.constant 0 : i32
      %add3A_266 = vector.broadcast %add3A_265 : i32 to vector<16xi32>
      %add3A_267 = arith.addi %add3A_266, %add3A_26 : vector<16xi32>
      %scan3A_268 = arith.constant 0 : i32
      %scan3A_269 = arith.constant 32 : i32
      %scan3A_270 = arith.addi %scan3A_268, %scan3A_269 : i32
      %scan3A_271 = arith.constant 1 : i32
      scf.for %scan3A_688 = %scan3A_268 to %scan3A_270 step %scan3A_271  : i32 {
        %mul3A_689 = arith.constant 1 : i32
        %mul3A_690 = arith.muli %scan3A_688, %mul3A_689 : i32
        %add3A_691 = arith.constant 0 : i32
        %add3A_692 = arith.addi %add3A_691, %mul3A_690 : i32
        %add3A_693 = vector.broadcast %add3A_692 : i32 to vector<16xi32>
        %add3A_694 = arith.addi %add3A_693, %iota3A : vector<16xi32>
        %and3A = arith.constant 31 : i32
        %and3A_695 = vector.broadcast %and3A : i32 to vector<16xi32>
        %and3A_696 = arith.andi %add3A_694, %and3A_695 : vector<16xi32>
        %shift_right_arithmetic3A = arith.constant 3 : i32
        %shift_right_arithmetic3A_697 = vector.broadcast %shift_right_arithmetic3A : i32 to vector<16xi32>
        %shift_right_arithmetic3A_698 = arith.shrsi %and3A_696, %shift_right_arithmetic3A_697 : vector<16xi32>
        %and3A_699 = arith.constant 7 : i32
        %and3A_700 = vector.broadcast %and3A_699 : i32 to vector<16xi32>
        %and3A_701 = arith.andi %and3A_696, %and3A_700 : vector<16xi32>
        %gather3A = tpu.vector_load_idx %arg6[%add3A_246, %and3A_696] : memref<512x32xf32, #tpu.memory_space<vmem>>[vector<16xi32>, vector<16xi32>], vector<16xf32>,
        tpu.vector_store_idx %arg8[%shift_right_arithmetic3A_698, %broadcast_in_dim3A_243, %and3A_701, %add3A_5], %gather3A : memref<4x4x8x128xf32, #tpu.memory_space<vmem>>[vector<16xi32>, vector<16xi32>, vector<16xi32>, vector<16xi32>], vector<16xf32>,
        %gather3A_702 = tpu.vector_load_idx %arg6[%add3A_249, %and3A_696] : memref<512x32xf32, #tpu.memory_space<vmem>>[vector<16xi32>, vector<16xi32>], vector<16xf32>,
        tpu.vector_store_idx %arg8[%shift_right_arithmetic3A_698, %broadcast_in_dim3A_243, %and3A_701, %add3A_8], %gather3A_702 : memref<4x4x8x128xf32, #tpu.memory_space<vmem>>[vector<16xi32>, vector<16xi32>, vector<16xi32>, vector<16xi32>], vector<16xf32>,
        %gather3A_703 = tpu.vector_load_idx %arg6[%add3A_252, %and3A_696] : memref<512x32xf32, #tpu.memory_space<vmem>>[vector<16xi32>, vector<16xi32>], vector<16xf32>,
        tpu.vector_store_idx %arg8[%shift_right_arithmetic3A_698, %broadcast_in_dim3A_243, %and3A_701, %add3A_11], %gather3A_703 : memref<4x4x8x128xf32, #tpu.memory_space<vmem>>[vector<16xi32>, vector<16xi32>, vector<16xi32>, vector<16xi32>], vector<16xf32>,
        %gather3A_704 = tpu.vector_load_idx %arg6[%add3A_255, %and3A_696] : memref<512x32xf32, #tpu.memory_space<vmem>>[vector<16xi32>, vector<16xi32>], vector<16xf32>,
        tpu.vector_store_idx %arg8[%shift_right_arithmetic3A_698, %broadcast_in_dim3A_243, %and3A_701, %add3A_14], %gather3A_704 : memref<4x4x8x128xf32, #tpu.memory_space<vmem>>[vector<16xi32>, vector<16xi32>, vector<16xi32>, vector<16xi32>], vector<16xf32>,
        %gather3A_705 = tpu.vector_load_idx %arg6[%add3A_258, %and3A_696] : memref<512x32xf32, #tpu.memory_space<vmem>>[vector<16xi32>, vector<16xi32>], vector<16xf32>,
        tpu.vector_store_idx %arg8[%shift_right_arithmetic3A_698, %broadcast_in_dim3A_243, %and3A_701, %add3A_17], %gather3A_705 : memref<4x4x8x128xf32, #tpu.memory_space<vmem>>[vector<16xi32>, vector<16xi32>, vector<16xi32>, vector<16xi32>], vector<16xf32>,
        %gather3A_706 = tpu.vector_load_idx %arg6[%add3A_261, %and3A_696] : memref<512x32xf32, #tpu.memory_space<vmem>>[vector<16xi32>, vector<16xi32>], vector<16xf32>,
        tpu.vector_store_idx %arg8[%shift_right_arithmetic3A_698, %broadcast_in_dim3A_243, %and3A_701, %add3A_20], %gather3A_706 : memref<4x4x8x128xf32, #tpu.memory_space<vmem>>[vector<16xi32>, vector<16xi32>, vector<16xi32>, vector<16xi32>], vector<16xf32>,
        %gather3A_707 = tpu.vector_load_idx %arg6[%add3A_264, %and3A_696] : memref<512x32xf32, #tpu.memory_space<vmem>>[vector<16xi32>, vector<16xi32>], vector<16xf32>,
        tpu.vector_store_idx %arg8[%shift_right_arithmetic3A_698, %broadcast_in_dim3A_243, %and3A_701, %add3A_23], %gather3A_707 : memref<4x4x8x128xf32, #tpu.memory_space<vmem>>[vector<16xi32>, vector<16xi32>, vector<16xi32>, vector<16xi32>], vector<16xf32>,
        %gather3A_708 = tpu.vector_load_idx %arg6[%add3A_267, %and3A_696] : memref<512x32xf32, #tpu.memory_space<vmem>>[vector<16xi32>, vector<16xi32>], vector<16xf32>,
        tpu.vector_store_idx %arg8[%shift_right_arithmetic3A_698, %broadcast_in_dim3A_243, %and3A_701, %add3A_26], %gather3A_708 : memref<4x4x8x128xf32, #tpu.memory_space<vmem>>[vector<16xi32>, vector<16xi32>, vector<16xi32>, vector<16xi32>], vector<16xf32>,
      }
      %scan3A_272 = arith.constant 32 : i32
      %broadcast_in_dim3A_273 = arith.constant 1 : i32
      %broadcast_in_dim3A_274 = vector.broadcast %broadcast_in_dim3A_273 : i32 to vector<16xi32>
      %add3A_275 = arith.constant 128 : i32
      %add3A_276 = vector.broadcast %add3A_275 : i32 to vector<16xi32>
      %add3A_277 = arith.addi %add3A_276, %add3A_5 : vector<16xi32>
      %add3A_278 = arith.constant 128 : i32
      %add3A_279 = vector.broadcast %add3A_278 : i32 to vector<16xi32>
      %add3A_280 = arith.addi %add3A_279, %add3A_8 : vector<16xi32>
      %add3A_281 = arith.constant 128 : i32
      %add3A_282 = vector.broadcast %add3A_281 : i32 to vector<16xi32>
      %add3A_283 = arith.addi %add3A_282, %add3A_11 : vector<16xi32>
      %add3A_284 = arith.constant 128 : i32
      %add3A_285 = vector.broadcast %add3A_284 : i32 to vector<16xi32>
      %add3A_286 = arith.addi %add3A_285, %add3A_14 : vector<16xi32>
      %add3A_287 = arith.constant 128 : i32
      %add3A_288 = vector.broadcast %add3A_287 : i32 to vector<16xi32>
      %add3A_289 = arith.addi %add3A_288, %add3A_17 : vector<16xi32>
      %add3A_290 = arith.constant 128 : i32
      %add3A_291 = vector.broadcast %add3A_290 : i32 to vector<16xi32>
      %add3A_292 = arith.addi %add3A_291, %add3A_20 : vector<16xi32>
      %add3A_293 = arith.constant 128 : i32
      %add3A_294 = vector.broadcast %add3A_293 : i32 to vector<16xi32>
      %add3A_295 = arith.addi %add3A_294, %add3A_23 : vector<16xi32>
      %add3A_296 = arith.constant 128 : i32
      %add3A_297 = vector.broadcast %add3A_296 : i32 to vector<16xi32>
      %add3A_298 = arith.addi %add3A_297, %add3A_26 : vector<16xi32>
      %scan3A_299 = arith.constant 0 : i32
      %scan3A_300 = arith.constant 32 : i32
      %scan3A_301 = arith.addi %scan3A_299, %scan3A_300 : i32
      %scan3A_302 = arith.constant 1 : i32
      scf.for %scan3A_688 = %scan3A_299 to %scan3A_301 step %scan3A_302  : i32 {
        %mul3A_689 = arith.constant 1 : i32
        %mul3A_690 = arith.muli %scan3A_688, %mul3A_689 : i32
        %add3A_691 = arith.constant 0 : i32
        %add3A_692 = arith.addi %add3A_691, %mul3A_690 : i32
        %add3A_693 = vector.broadcast %add3A_692 : i32 to vector<16xi32>
        %add3A_694 = arith.addi %add3A_693, %iota3A : vector<16xi32>
        %and3A = arith.constant 31 : i32
        %and3A_695 = vector.broadcast %and3A : i32 to vector<16xi32>
        %and3A_696 = arith.andi %add3A_694, %and3A_695 : vector<16xi32>
        %shift_right_arithmetic3A = arith.constant 3 : i32
        %shift_right_arithmetic3A_697 = vector.broadcast %shift_right_arithmetic3A : i32 to vector<16xi32>
        %shift_right_arithmetic3A_698 = arith.shrsi %and3A_696, %shift_right_arithmetic3A_697 : vector<16xi32>
        %and3A_699 = arith.constant 7 : i32
        %and3A_700 = vector.broadcast %and3A_699 : i32 to vector<16xi32>
        %and3A_701 = arith.andi %and3A_696, %and3A_700 : vector<16xi32>
        %gather3A = tpu.vector_load_idx %arg6[%add3A_277, %and3A_696] : memref<512x32xf32, #tpu.memory_space<vmem>>[vector<16xi32>, vector<16xi32>], vector<16xf32>,
        tpu.vector_store_idx %arg8[%shift_right_arithmetic3A_698, %broadcast_in_dim3A_274, %and3A_701, %add3A_5], %gather3A : memref<4x4x8x128xf32, #tpu.memory_space<vmem>>[vector<16xi32>, vector<16xi32>, vector<16xi32>, vector<16xi32>], vector<16xf32>,
        %gather3A_702 = tpu.vector_load_idx %arg6[%add3A_280, %and3A_696] : memref<512x32xf32, #tpu.memory_space<vmem>>[vector<16xi32>, vector<16xi32>], vector<16xf32>,
        tpu.vector_store_idx %arg8[%shift_right_arithmetic3A_698, %broadcast_in_dim3A_274, %and3A_701, %add3A_8], %gather3A_702 : memref<4x4x8x128xf32, #tpu.memory_space<vmem>>[vector<16xi32>, vector<16xi32>, vector<16xi32>, vector<16xi32>], vector<16xf32>,
        %gather3A_703 = tpu.vector_load_idx %arg6[%add3A_283, %and3A_696] : memref<512x32xf32, #tpu.memory_space<vmem>>[vector<16xi32>, vector<16xi32>], vector<16xf32>,
        tpu.vector_store_idx %arg8[%shift_right_arithmetic3A_698, %broadcast_in_dim3A_274, %and3A_701, %add3A_11], %gather3A_703 : memref<4x4x8x128xf32, #tpu.memory_space<vmem>>[vector<16xi32>, vector<16xi32>, vector<16xi32>, vector<16xi32>], vector<16xf32>,
        %gather3A_704 = tpu.vector_load_idx %arg6[%add3A_286, %and3A_696] : memref<512x32xf32, #tpu.memory_space<vmem>>[vector<16xi32>, vector<16xi32>], vector<16xf32>,
        tpu.vector_store_idx %arg8[%shift_right_arithmetic3A_698, %broadcast_in_dim3A_274, %and3A_701, %add3A_14], %gather3A_704 : memref<4x4x8x128xf32, #tpu.memory_space<vmem>>[vector<16xi32>, vector<16xi32>, vector<16xi32>, vector<16xi32>], vector<16xf32>,
        %gather3A_705 = tpu.vector_load_idx %arg6[%add3A_289, %and3A_696] : memref<512x32xf32, #tpu.memory_space<vmem>>[vector<16xi32>, vector<16xi32>], vector<16xf32>,
        tpu.vector_store_idx %arg8[%shift_right_arithmetic3A_698, %broadcast_in_dim3A_274, %and3A_701, %add3A_17], %gather3A_705 : memref<4x4x8x128xf32, #tpu.memory_space<vmem>>[vector<16xi32>, vector<16xi32>, vector<16xi32>, vector<16xi32>], vector<16xf32>,
        %gather3A_706 = tpu.vector_load_idx %arg6[%add3A_292, %and3A_696] : memref<512x32xf32, #tpu.memory_space<vmem>>[vector<16xi32>, vector<16xi32>], vector<16xf32>,
        tpu.vector_store_idx %arg8[%shift_right_arithmetic3A_698, %broadcast_in_dim3A_274, %and3A_701, %add3A_20], %gather3A_706 : memref<4x4x8x128xf32, #tpu.memory_space<vmem>>[vector<16xi32>, vector<16xi32>, vector<16xi32>, vector<16xi32>], vector<16xf32>,
        %gather3A_707 = tpu.vector_load_idx %arg6[%add3A_295, %and3A_696] : memref<512x32xf32, #tpu.memory_space<vmem>>[vector<16xi32>, vector<16xi32>], vector<16xf32>,
        tpu.vector_store_idx %arg8[%shift_right_arithmetic3A_698, %broadcast_in_dim3A_274, %and3A_701, %add3A_23], %gather3A_707 : memref<4x4x8x128xf32, #tpu.memory_space<vmem>>[vector<16xi32>, vector<16xi32>, vector<16xi32>, vector<16xi32>], vector<16xf32>,
        %gather3A_708 = tpu.vector_load_idx %arg6[%add3A_298, %and3A_696] : memref<512x32xf32, #tpu.memory_space<vmem>>[vector<16xi32>, vector<16xi32>], vector<16xf32>,
        tpu.vector_store_idx %arg8[%shift_right_arithmetic3A_698, %broadcast_in_dim3A_274, %and3A_701, %add3A_26], %gather3A_708 : memref<4x4x8x128xf32, #tpu.memory_space<vmem>>[vector<16xi32>, vector<16xi32>, vector<16xi32>, vector<16xi32>], vector<16xf32>,
      }
      %scan3A_303 = arith.constant 32 : i32
      %broadcast_in_dim3A_304 = arith.constant 2 : i32
      %broadcast_in_dim3A_305 = vector.broadcast %broadcast_in_dim3A_304 : i32 to vector<16xi32>
      %add3A_306 = arith.constant 256 : i32
      %add3A_307 = vector.broadcast %add3A_306 : i32 to vector<16xi32>
      %add3A_308 = arith.addi %add3A_307, %add3A_5 : vector<16xi32>
      %add3A_309 = arith.constant 256 : i32
      %add3A_310 = vector.broadcast %add3A_309 : i32 to vector<16xi32>
      %add3A_311 = arith.addi %add3A_310, %add3A_8 : vector<16xi32>
      %add3A_312 = arith.constant 256 : i32
      %add3A_313 = vector.broadcast %add3A_312 : i32 to vector<16xi32>
      %add3A_314 = arith.addi %add3A_313, %add3A_11 : vector<16xi32>
      %add3A_315 = arith.constant 256 : i32
      %add3A_316 = vector.broadcast %add3A_315 : i32 to vector<16xi32>
      %add3A_317 = arith.addi %add3A_316, %add3A_14 : vector<16xi32>
      %add3A_318 = arith.constant 256 : i32
      %add3A_319 = vector.broadcast %add3A_318 : i32 to vector<16xi32>
      %add3A_320 = arith.addi %add3A_319, %add3A_17 : vector<16xi32>
      %add3A_321 = arith.constant 256 : i32
      %add3A_322 = vector.broadcast %add3A_321 : i32 to vector<16xi32>
      %add3A_323 = arith.addi %add3A_322, %add3A_20 : vector<16xi32>
      %add3A_324 = arith.constant 256 : i32
      %add3A_325 = vector.broadcast %add3A_324 : i32 to vector<16xi32>
      %add3A_326 = arith.addi %add3A_325, %add3A_23 : vector<16xi32>
      %add3A_327 = arith.constant 256 : i32
      %add3A_328 = vector.broadcast %add3A_327 : i32 to vector<16xi32>
      %add3A_329 = arith.addi %add3A_328, %add3A_26 : vector<16xi32>
      %scan3A_330 = arith.constant 0 : i32
      %scan3A_331 = arith.constant 32 : i32
      %scan3A_332 = arith.addi %scan3A_330, %scan3A_331 : i32
      %scan3A_333 = arith.constant 1 : i32
      scf.for %scan3A_688 = %scan3A_330 to %scan3A_332 step %scan3A_333  : i32 {
        %mul3A_689 = arith.constant 1 : i32
        %mul3A_690 = arith.muli %scan3A_688, %mul3A_689 : i32
        %add3A_691 = arith.constant 0 : i32
        %add3A_692 = arith.addi %add3A_691, %mul3A_690 : i32
        %add3A_693 = vector.broadcast %add3A_692 : i32 to vector<16xi32>
        %add3A_694 = arith.addi %add3A_693, %iota3A : vector<16xi32>
        %and3A = arith.constant 31 : i32
        %and3A_695 = vector.broadcast %and3A : i32 to vector<16xi32>
        %and3A_696 = arith.andi %add3A_694, %and3A_695 : vector<16xi32>
        %shift_right_arithmetic3A = arith.constant 3 : i32
        %shift_right_arithmetic3A_697 = vector.broadcast %shift_right_arithmetic3A : i32 to vector<16xi32>
        %shift_right_arithmetic3A_698 = arith.shrsi %and3A_696, %shift_right_arithmetic3A_697 : vector<16xi32>
        %and3A_699 = arith.constant 7 : i32
        %and3A_700 = vector.broadcast %and3A_699 : i32 to vector<16xi32>
        %and3A_701 = arith.andi %and3A_696, %and3A_700 : vector<16xi32>
        %gather3A = tpu.vector_load_idx %arg6[%add3A_308, %and3A_696] : memref<512x32xf32, #tpu.memory_space<vmem>>[vector<16xi32>, vector<16xi32>], vector<16xf32>,
        tpu.vector_store_idx %arg8[%shift_right_arithmetic3A_698, %broadcast_in_dim3A_305, %and3A_701, %add3A_5], %gather3A : memref<4x4x8x128xf32, #tpu.memory_space<vmem>>[vector<16xi32>, vector<16xi32>, vector<16xi32>, vector<16xi32>], vector<16xf32>,
        %gather3A_702 = tpu.vector_load_idx %arg6[%add3A_311, %and3A_696] : memref<512x32xf32, #tpu.memory_space<vmem>>[vector<16xi32>, vector<16xi32>], vector<16xf32>,
        tpu.vector_store_idx %arg8[%shift_right_arithmetic3A_698, %broadcast_in_dim3A_305, %and3A_701, %add3A_8], %gather3A_702 : memref<4x4x8x128xf32, #tpu.memory_space<vmem>>[vector<16xi32>, vector<16xi32>, vector<16xi32>, vector<16xi32>], vector<16xf32>,
        %gather3A_703 = tpu.vector_load_idx %arg6[%add3A_314, %and3A_696] : memref<512x32xf32, #tpu.memory_space<vmem>>[vector<16xi32>, vector<16xi32>], vector<16xf32>,
        tpu.vector_store_idx %arg8[%shift_right_arithmetic3A_698, %broadcast_in_dim3A_305, %and3A_701, %add3A_11], %gather3A_703 : memref<4x4x8x128xf32, #tpu.memory_space<vmem>>[vector<16xi32>, vector<16xi32>, vector<16xi32>, vector<16xi32>], vector<16xf32>,
        %gather3A_704 = tpu.vector_load_idx %arg6[%add3A_317, %and3A_696] : memref<512x32xf32, #tpu.memory_space<vmem>>[vector<16xi32>, vector<16xi32>], vector<16xf32>,
        tpu.vector_store_idx %arg8[%shift_right_arithmetic3A_698, %broadcast_in_dim3A_305, %and3A_701, %add3A_14], %gather3A_704 : memref<4x4x8x128xf32, #tpu.memory_space<vmem>>[vector<16xi32>, vector<16xi32>, vector<16xi32>, vector<16xi32>], vector<16xf32>,
        %gather3A_705 = tpu.vector_load_idx %arg6[%add3A_320, %and3A_696] : memref<512x32xf32, #tpu.memory_space<vmem>>[vector<16xi32>, vector<16xi32>], vector<16xf32>,
        tpu.vector_store_idx %arg8[%shift_right_arithmetic3A_698, %broadcast_in_dim3A_305, %and3A_701, %add3A_17], %gather3A_705 : memref<4x4x8x128xf32, #tpu.memory_space<vmem>>[vector<16xi32>, vector<16xi32>, vector<16xi32>, vector<16xi32>], vector<16xf32>,
        %gather3A_706 = tpu.vector_load_idx %arg6[%add3A_323, %and3A_696] : memref<512x32xf32, #tpu.memory_space<vmem>>[vector<16xi32>, vector<16xi32>], vector<16xf32>,
        tpu.vector_store_idx %arg8[%shift_right_arithmetic3A_698, %broadcast_in_dim3A_305, %and3A_701, %add3A_20], %gather3A_706 : memref<4x4x8x128xf32, #tpu.memory_space<vmem>>[vector<16xi32>, vector<16xi32>, vector<16xi32>, vector<16xi32>], vector<16xf32>,
        %gather3A_707 = tpu.vector_load_idx %arg6[%add3A_326, %and3A_696] : memref<512x32xf32, #tpu.memory_space<vmem>>[vector<16xi32>, vector<16xi32>], vector<16xf32>,
        tpu.vector_store_idx %arg8[%shift_right_arithmetic3A_698, %broadcast_in_dim3A_305, %and3A_701, %add3A_23], %gather3A_707 : memref<4x4x8x128xf32, #tpu.memory_space<vmem>>[vector<16xi32>, vector<16xi32>, vector<16xi32>, vector<16xi32>], vector<16xf32>,
        %gather3A_708 = tpu.vector_load_idx %arg6[%add3A_329, %and3A_696] : memref<512x32xf32, #tpu.memory_space<vmem>>[vector<16xi32>, vector<16xi32>], vector<16xf32>,
        tpu.vector_store_idx %arg8[%shift_right_arithmetic3A_698, %broadcast_in_dim3A_305, %and3A_701, %add3A_26], %gather3A_708 : memref<4x4x8x128xf32, #tpu.memory_space<vmem>>[vector<16xi32>, vector<16xi32>, vector<16xi32>, vector<16xi32>], vector<16xf32>,
      }
      %scan3A_334 = arith.constant 32 : i32
      %broadcast_in_dim3A_335 = arith.constant 3 : i32
      %broadcast_in_dim3A_336 = vector.broadcast %broadcast_in_dim3A_335 : i32 to vector<16xi32>
      %add3A_337 = arith.constant 384 : i32
      %add3A_338 = vector.broadcast %add3A_337 : i32 to vector<16xi32>
      %add3A_339 = arith.addi %add3A_338, %add3A_5 : vector<16xi32>
      %add3A_340 = arith.constant 384 : i32
      %add3A_341 = vector.broadcast %add3A_340 : i32 to vector<16xi32>
      %add3A_342 = arith.addi %add3A_341, %add3A_8 : vector<16xi32>
      %add3A_343 = arith.constant 384 : i32
      %add3A_344 = vector.broadcast %add3A_343 : i32 to vector<16xi32>
      %add3A_345 = arith.addi %add3A_344, %add3A_11 : vector<16xi32>
      %add3A_346 = arith.constant 384 : i32
      %add3A_347 = vector.broadcast %add3A_346 : i32 to vector<16xi32>
      %add3A_348 = arith.addi %add3A_347, %add3A_14 : vector<16xi32>
      %add3A_349 = arith.constant 384 : i32
      %add3A_350 = vector.broadcast %add3A_349 : i32 to vector<16xi32>
      %add3A_351 = arith.addi %add3A_350, %add3A_17 : vector<16xi32>
      %add3A_352 = arith.constant 384 : i32
      %add3A_353 = vector.broadcast %add3A_352 : i32 to vector<16xi32>
      %add3A_354 = arith.addi %add3A_353, %add3A_20 : vector<16xi32>
      %add3A_355 = arith.constant 384 : i32
      %add3A_356 = vector.broadcast %add3A_355 : i32 to vector<16xi32>
      %add3A_357 = arith.addi %add3A_356, %add3A_23 : vector<16xi32>
      %add3A_358 = arith.constant 384 : i32
      %add3A_359 = vector.broadcast %add3A_358 : i32 to vector<16xi32>
      %add3A_360 = arith.addi %add3A_359, %add3A_26 : vector<16xi32>
      %scan3A_361 = arith.constant 0 : i32
      %scan3A_362 = arith.constant 32 : i32
      %scan3A_363 = arith.addi %scan3A_361, %scan3A_362 : i32
      %scan3A_364 = arith.constant 1 : i32
      scf.for %scan3A_688 = %scan3A_361 to %scan3A_363 step %scan3A_364  : i32 {
        %mul3A_689 = arith.constant 1 : i32
        %mul3A_690 = arith.muli %scan3A_688, %mul3A_689 : i32
        %add3A_691 = arith.constant 0 : i32
        %add3A_692 = arith.addi %add3A_691, %mul3A_690 : i32
        %add3A_693 = vector.broadcast %add3A_692 : i32 to vector<16xi32>
        %add3A_694 = arith.addi %add3A_693, %iota3A : vector<16xi32>
        %and3A = arith.constant 31 : i32
        %and3A_695 = vector.broadcast %and3A : i32 to vector<16xi32>
        %and3A_696 = arith.andi %add3A_694, %and3A_695 : vector<16xi32>
        %shift_right_arithmetic3A = arith.constant 3 : i32
        %shift_right_arithmetic3A_697 = vector.broadcast %shift_right_arithmetic3A : i32 to vector<16xi32>
        %shift_right_arithmetic3A_698 = arith.shrsi %and3A_696, %shift_right_arithmetic3A_697 : vector<16xi32>
        %and3A_699 = arith.constant 7 : i32
        %and3A_700 = vector.broadcast %and3A_699 : i32 to vector<16xi32>
        %and3A_701 = arith.andi %and3A_696, %and3A_700 : vector<16xi32>
        %gather3A = tpu.vector_load_idx %arg6[%add3A_339, %and3A_696] : memref<512x32xf32, #tpu.memory_space<vmem>>[vector<16xi32>, vector<16xi32>], vector<16xf32>,
        tpu.vector_store_idx %arg8[%shift_right_arithmetic3A_698, %broadcast_in_dim3A_336, %and3A_701, %add3A_5], %gather3A : memref<4x4x8x128xf32, #tpu.memory_space<vmem>>[vector<16xi32>, vector<16xi32>, vector<16xi32>, vector<16xi32>], vector<16xf32>,
        %gather3A_702 = tpu.vector_load_idx %arg6[%add3A_342, %and3A_696] : memref<512x32xf32, #tpu.memory_space<vmem>>[vector<16xi32>, vector<16xi32>], vector<16xf32>,
        tpu.vector_store_idx %arg8[%shift_right_arithmetic3A_698, %broadcast_in_dim3A_336, %and3A_701, %add3A_8], %gather3A_702 : memref<4x4x8x128xf32, #tpu.memory_space<vmem>>[vector<16xi32>, vector<16xi32>, vector<16xi32>, vector<16xi32>], vector<16xf32>,
        %gather3A_703 = tpu.vector_load_idx %arg6[%add3A_345, %and3A_696] : memref<512x32xf32, #tpu.memory_space<vmem>>[vector<16xi32>, vector<16xi32>], vector<16xf32>,
        tpu.vector_store_idx %arg8[%shift_right_arithmetic3A_698, %broadcast_in_dim3A_336, %and3A_701, %add3A_11], %gather3A_703 : memref<4x4x8x128xf32, #tpu.memory_space<vmem>>[vector<16xi32>, vector<16xi32>, vector<16xi32>, vector<16xi32>], vector<16xf32>,
        %gather3A_704 = tpu.vector_load_idx %arg6[%add3A_348, %and3A_696] : memref<512x32xf32, #tpu.memory_space<vmem>>[vector<16xi32>, vector<16xi32>], vector<16xf32>,
        tpu.vector_store_idx %arg8[%shift_right_arithmetic3A_698, %broadcast_in_dim3A_336, %and3A_701, %add3A_14], %gather3A_704 : memref<4x4x8x128xf32, #tpu.memory_space<vmem>>[vector<16xi32>, vector<16xi32>, vector<16xi32>, vector<16xi32>], vector<16xf32>,
        %gather3A_705 = tpu.vector_load_idx %arg6[%add3A_351, %and3A_696] : memref<512x32xf32, #tpu.memory_space<vmem>>[vector<16xi32>, vector<16xi32>], vector<16xf32>,
        tpu.vector_store_idx %arg8[%shift_right_arithmetic3A_698, %broadcast_in_dim3A_336, %and3A_701, %add3A_17], %gather3A_705 : memref<4x4x8x128xf32, #tpu.memory_space<vmem>>[vector<16xi32>, vector<16xi32>, vector<16xi32>, vector<16xi32>], vector<16xf32>,
        %gather3A_706 = tpu.vector_load_idx %arg6[%add3A_354, %and3A_696] : memref<512x32xf32, #tpu.memory_space<vmem>>[vector<16xi32>, vector<16xi32>], vector<16xf32>,
        tpu.vector_store_idx %arg8[%shift_right_arithmetic3A_698, %broadcast_in_dim3A_336, %and3A_701, %add3A_20], %gather3A_706 : memref<4x4x8x128xf32, #tpu.memory_space<vmem>>[vector<16xi32>, vector<16xi32>, vector<16xi32>, vector<16xi32>], vector<16xf32>,
        %gather3A_707 = tpu.vector_load_idx %arg6[%add3A_357, %and3A_696] : memref<512x32xf32, #tpu.memory_space<vmem>>[vector<16xi32>, vector<16xi32>], vector<16xf32>,
        tpu.vector_store_idx %arg8[%shift_right_arithmetic3A_698, %broadcast_in_dim3A_336, %and3A_701, %add3A_23], %gather3A_707 : memref<4x4x8x128xf32, #tpu.memory_space<vmem>>[vector<16xi32>, vector<16xi32>, vector<16xi32>, vector<16xi32>], vector<16xf32>,
        %gather3A_708 = tpu.vector_load_idx %arg6[%add3A_360, %and3A_696] : memref<512x32xf32, #tpu.memory_space<vmem>>[vector<16xi32>, vector<16xi32>], vector<16xf32>,
        tpu.vector_store_idx %arg8[%shift_right_arithmetic3A_698, %broadcast_in_dim3A_336, %and3A_701, %add3A_26], %gather3A_708 : memref<4x4x8x128xf32, #tpu.memory_space<vmem>>[vector<16xi32>, vector<16xi32>, vector<16xi32>, vector<16xi32>], vector<16xf32>,
      }
      %scan3A_365 = arith.constant 32 : i32
      %mul3A_366 = arith.constant 4 : i32
      %mul3A_367 = arith.muli %add3A, %mul3A_366 : i32
      %mul3A_368 = arith.constant 4 : i32
      %mul3A_369 = arith.muli %add3A, %mul3A_368 : i32
      %mul3A_370 = arith.constant 4 : i32
      %mul3A_371 = arith.muli %add3A, %mul3A_370 : i32
      %mul3A_372 = arith.constant 4 : i32
      %mul3A_373 = arith.muli %add3A, %mul3A_372 : i32
      %dma_start3A_374 = arith.constant 0 : i32
      %dma_start3A_375 = arith.constant 0 : i32
      %dma_start3A_376 = arith.constant 0 : i32
      %dma_start3A_377 = arith.constant 0 : i32
      %dma_start3A_378 = arith.constant 0 : i32
      %dma_start3A_379 = tpu.memref_slice %arg8[%dma_start3A_374, %dma_start3A_376, %dma_start3A_377, %dma_start3A_378] : memref<4x4x8x128xf32, #tpu.memory_space<vmem>> -> memref<1x4x8x128xf32, #tpu.memory_space<vmem>>
      %dma_start3A_380 = tpu.memref_squeeze %dma_start3A_379 : memref<1x4x8x128xf32, #tpu.memory_space<vmem>> -> memref<4x8x128xf32, #tpu.memory_space<vmem>>
      %dma_start3A_381 = arith.constant 0 : i32
      %dma_start3A_382 = arith.constant 0 : i32
      %dma_start3A_383 = tpu.memref_slice %arg4[%add3A_228, %dma_start3A_375, %mul3A_367, %dma_start3A_381, %dma_start3A_382] : memref<26x4x128x8x128xf32, #tpu.memory_space<hbm>> -> memref<1x1x4x8x128xf32, #tpu.memory_space<hbm>>
      %dma_start3A_384 = tpu.memref_squeeze %dma_start3A_383 : memref<1x1x4x8x128xf32, #tpu.memory_space<hbm>> -> memref<4x8x128xf32, #tpu.memory_space<hbm>>
      %dma_start3A_385 = arith.constant 0 : i32
      %dma_start3A_386 = arith.constant 0 : i32
      %dma_start3A_387 = tpu.memref_slice %arg4[%add3A_228, %dma_start3A_375, %mul3A_367, %dma_start3A_385, %dma_start3A_386] : memref<26x4x128x8x128xf32, #tpu.memory_space<hbm>> -> memref<1x1x4x8x128xf32, #tpu.memory_space<hbm>>
      %dma_start3A_388 = tpu.memref_squeeze %dma_start3A_387 : memref<1x1x4x8x128xf32, #tpu.memory_space<hbm>> -> memref<4x8x128xf32, #tpu.memory_space<hbm>>
      %dma_start3A_389 = arith.constant 0 : i32
      %dma_start3A_390 = arith.constant 0 : i32
      %dma_start3A_391 = arith.constant 0 : i32
      %dma_start3A_392 = tpu.memref_slice %arg8[%dma_start3A_374, %dma_start3A_389, %dma_start3A_390, %dma_start3A_391] : memref<4x4x8x128xf32, #tpu.memory_space<vmem>> -> memref<1x4x8x128xf32, #tpu.memory_space<vmem>>
      %dma_start3A_393 = tpu.memref_squeeze %dma_start3A_392 : memref<1x4x8x128xf32, #tpu.memory_space<vmem>> -> memref<4x8x128xf32, #tpu.memory_space<vmem>>
      tpu.enqueue_dma source(%dma_start3A_393 : memref<4x8x128xf32, #tpu.memory_space<vmem>>) target(%dma_start3A_388 : memref<4x8x128xf32, #tpu.memory_space<hbm>>) target_semaphore(%arg12 : memref<!tpu.dma_semaphore, #tpu.memory_space<semaphore_mem>>)
      %dma_start3A_394 = arith.constant 1 : i32
      %dma_start3A_395 = arith.constant 1 : i32
      %dma_start3A_396 = arith.constant 0 : i32
      %dma_start3A_397 = arith.constant 0 : i32
      %dma_start3A_398 = arith.constant 0 : i32
      %dma_start3A_399 = tpu.memref_slice %arg8[%dma_start3A_394, %dma_start3A_396, %dma_start3A_397, %dma_start3A_398] : memref<4x4x8x128xf32, #tpu.memory_space<vmem>> -> memref<1x4x8x128xf32, #tpu.memory_space<vmem>>
      %dma_start3A_400 = tpu.memref_squeeze %dma_start3A_399 : memref<1x4x8x128xf32, #tpu.memory_space<vmem>> -> memref<4x8x128xf32, #tpu.memory_space<vmem>>
      %dma_start3A_401 = arith.constant 0 : i32
      %dma_start3A_402 = arith.constant 0 : i32
      %dma_start3A_403 = tpu.memref_slice %arg4[%add3A_228, %dma_start3A_395, %mul3A_369, %dma_start3A_401, %dma_start3A_402] : memref<26x4x128x8x128xf32, #tpu.memory_space<hbm>> -> memref<1x1x4x8x128xf32, #tpu.memory_space<hbm>>
      %dma_start3A_404 = tpu.memref_squeeze %dma_start3A_403 : memref<1x1x4x8x128xf32, #tpu.memory_space<hbm>> -> memref<4x8x128xf32, #tpu.memory_space<hbm>>
      %dma_start3A_405 = arith.constant 0 : i32
      %dma_start3A_406 = arith.constant 0 : i32
      %dma_start3A_407 = tpu.memref_slice %arg4[%add3A_228, %dma_start3A_395, %mul3A_369, %dma_start3A_405, %dma_start3A_406] : memref<26x4x128x8x128xf32, #tpu.memory_space<hbm>> -> memref<1x1x4x8x128xf32, #tpu.memory_space<hbm>>
      %dma_start3A_408 = tpu.memref_squeeze %dma_start3A_407 : memref<1x1x4x8x128xf32, #tpu.memory_space<hbm>> -> memref<4x8x128xf32, #tpu.memory_space<hbm>>
      %dma_start3A_409 = arith.constant 0 : i32
      %dma_start3A_410 = arith.constant 0 : i32
      %dma_start3A_411 = arith.constant 0 : i32
      %dma_start3A_412 = tpu.memref_slice %arg8[%dma_start3A_394, %dma_start3A_409, %dma_start3A_410, %dma_start3A_411] : memref<4x4x8x128xf32, #tpu.memory_space<vmem>> -> memref<1x4x8x128xf32, #tpu.memory_space<vmem>>
      %dma_start3A_413 = tpu.memref_squeeze %dma_start3A_412 : memref<1x4x8x128xf32, #tpu.memory_space<vmem>> -> memref<4x8x128xf32, #tpu.memory_space<vmem>>
      tpu.enqueue_dma source(%dma_start3A_413 : memref<4x8x128xf32, #tpu.memory_space<vmem>>) target(%dma_start3A_408 : memref<4x8x128xf32, #tpu.memory_space<hbm>>) target_semaphore(%arg12 : memref<!tpu.dma_semaphore, #tpu.memory_space<semaphore_mem>>)
      %dma_start3A_414 = arith.constant 2 : i32
      %dma_start3A_415 = arith.constant 2 : i32
      %dma_start3A_416 = arith.constant 0 : i32
      %dma_start3A_417 = arith.constant 0 : i32
      %dma_start3A_418 = arith.constant 0 : i32
      %dma_start3A_419 = tpu.memref_slice %arg8[%dma_start3A_414, %dma_start3A_416, %dma_start3A_417, %dma_start3A_418] : memref<4x4x8x128xf32, #tpu.memory_space<vmem>> -> memref<1x4x8x128xf32, #tpu.memory_space<vmem>>
      %dma_start3A_420 = tpu.memref_squeeze %dma_start3A_419 : memref<1x4x8x128xf32, #tpu.memory_space<vmem>> -> memref<4x8x128xf32, #tpu.memory_space<vmem>>
      %dma_start3A_421 = arith.constant 0 : i32
      %dma_start3A_422 = arith.constant 0 : i32
      %dma_start3A_423 = tpu.memref_slice %arg4[%add3A_228, %dma_start3A_415, %mul3A_371, %dma_start3A_421, %dma_start3A_422] : memref<26x4x128x8x128xf32, #tpu.memory_space<hbm>> -> memref<1x1x4x8x128xf32, #tpu.memory_space<hbm>>
      %dma_start3A_424 = tpu.memref_squeeze %dma_start3A_423 : memref<1x1x4x8x128xf32, #tpu.memory_space<hbm>> -> memref<4x8x128xf32, #tpu.memory_space<hbm>>
      %dma_start3A_425 = arith.constant 0 : i32
      %dma_start3A_426 = arith.constant 0 : i32
      %dma_start3A_427 = tpu.memref_slice %arg4[%add3A_228, %dma_start3A_415, %mul3A_371, %dma_start3A_425, %dma_start3A_426] : memref<26x4x128x8x128xf32, #tpu.memory_space<hbm>> -> memref<1x1x4x8x128xf32, #tpu.memory_space<hbm>>
      %dma_start3A_428 = tpu.memref_squeeze %dma_start3A_427 : memref<1x1x4x8x128xf32, #tpu.memory_space<hbm>> -> memref<4x8x128xf32, #tpu.memory_space<hbm>>
      %dma_start3A_429 = arith.constant 0 : i32
      %dma_start3A_430 = arith.constant 0 : i32
      %dma_start3A_431 = arith.constant 0 : i32
      %dma_start3A_432 = tpu.memref_slice %arg8[%dma_start3A_414, %dma_start3A_429, %dma_start3A_430, %dma_start3A_431] : memref<4x4x8x128xf32, #tpu.memory_space<vmem>> -> memref<1x4x8x128xf32, #tpu.memory_space<vmem>>
      %dma_start3A_433 = tpu.memref_squeeze %dma_start3A_432 : memref<1x4x8x128xf32, #tpu.memory_space<vmem>> -> memref<4x8x128xf32, #tpu.memory_space<vmem>>
      tpu.enqueue_dma source(%dma_start3A_433 : memref<4x8x128xf32, #tpu.memory_space<vmem>>) target(%dma_start3A_428 : memref<4x8x128xf32, #tpu.memory_space<hbm>>) target_semaphore(%arg12 : memref<!tpu.dma_semaphore, #tpu.memory_space<semaphore_mem>>)
      %dma_start3A_434 = arith.constant 3 : i32
      %dma_start3A_435 = arith.constant 3 : i32
      %dma_start3A_436 = arith.constant 0 : i32
      %dma_start3A_437 = arith.constant 0 : i32
      %dma_start3A_438 = arith.constant 0 : i32
      %dma_start3A_439 = tpu.memref_slice %arg8[%dma_start3A_434, %dma_start3A_436, %dma_start3A_437, %dma_start3A_438] : memref<4x4x8x128xf32, #tpu.memory_space<vmem>> -> memref<1x4x8x128xf32, #tpu.memory_space<vmem>>
      %dma_start3A_440 = tpu.memref_squeeze %dma_start3A_439 : memref<1x4x8x128xf32, #tpu.memory_space<vmem>> -> memref<4x8x128xf32, #tpu.memory_space<vmem>>
      %dma_start3A_441 = arith.constant 0 : i32
      %dma_start3A_442 = arith.constant 0 : i32
      %dma_start3A_443 = tpu.memref_slice %arg4[%add3A_228, %dma_start3A_435, %mul3A_373, %dma_start3A_441, %dma_start3A_442] : memref<26x4x128x8x128xf32, #tpu.memory_space<hbm>> -> memref<1x1x4x8x128xf32, #tpu.memory_space<hbm>>
      %dma_start3A_444 = tpu.memref_squeeze %dma_start3A_443 : memref<1x1x4x8x128xf32, #tpu.memory_space<hbm>> -> memref<4x8x128xf32, #tpu.memory_space<hbm>>
      %dma_start3A_445 = arith.constant 0 : i32
      %dma_start3A_446 = arith.constant 0 : i32
      %dma_start3A_447 = tpu.memref_slice %arg4[%add3A_228, %dma_start3A_435, %mul3A_373, %dma_start3A_445, %dma_start3A_446] : memref<26x4x128x8x128xf32, #tpu.memory_space<hbm>> -> memref<1x1x4x8x128xf32, #tpu.memory_space<hbm>>
      %dma_start3A_448 = tpu.memref_squeeze %dma_start3A_447 : memref<1x1x4x8x128xf32, #tpu.memory_space<hbm>> -> memref<4x8x128xf32, #tpu.memory_space<hbm>>
      %dma_start3A_449 = arith.constant 0 : i32
      %dma_start3A_450 = arith.constant 0 : i32
      %dma_start3A_451 = arith.constant 0 : i32
      %dma_start3A_452 = tpu.memref_slice %arg8[%dma_start3A_434, %dma_start3A_449, %dma_start3A_450, %dma_start3A_451] : memref<4x4x8x128xf32, #tpu.memory_space<vmem>> -> memref<1x4x8x128xf32, #tpu.memory_space<vmem>>
      %dma_start3A_453 = tpu.memref_squeeze %dma_start3A_452 : memref<1x4x8x128xf32, #tpu.memory_space<vmem>> -> memref<4x8x128xf32, #tpu.memory_space<vmem>>
      tpu.enqueue_dma source(%dma_start3A_453 : memref<4x8x128xf32, #tpu.memory_space<vmem>>) target(%dma_start3A_448 : memref<4x8x128xf32, #tpu.memory_space<hbm>>) target_semaphore(%arg12 : memref<!tpu.dma_semaphore, #tpu.memory_space<semaphore_mem>>)
      %mul3A_454 = arith.constant 2 : i32
      %mul3A_455 = arith.muli %add3A_224, %mul3A_454 : i32
      %add3A_456 = arith.constant 1 : i32
      %add3A_457 = arith.addi %mul3A_455, %add3A_456 : i32
      %add3A_458 = arith.constant 1 : i32
      %add3A_459 = arith.addi %add3A_457, %add3A_458 : i32
      %lt3A_460 = arith.constant 26 : i32
      %lt3A_461 = arith.cmpi slt, %add3A_459, %lt3A_460 : i32
      %convert_element_type3A_462 = arith.extui %lt3A_461 : i1 to i32
      %cond3A_463 = arith.constant 0 : i32
      %cond3A_464 = arith.cmpi ne, %convert_element_type3A_462, %cond3A_463 : i32
      scf.if %cond3A_464 {
        %add3A_688 = arith.constant 1 : i32
        %add3A_689 = arith.addi %add3A_457, %add3A_688 : i32
        %dma_start3A_690 = arith.constant 0 : i32
        %dma_start3A_691 = tpu.memref_slice %arg5[%add3A_689, %dma_start3A_690] : memref<26x512xi32, #tpu.memory_space<vmem>> -> memref<1x512xi32, #tpu.memory_space<vmem>>
        %dma_start3A_692 = tpu.memref_squeeze %dma_start3A_691 : memref<1x512xi32, #tpu.memory_space<vmem>> -> memref<512xi32, #tpu.memory_space<vmem>>
        %dma_start3A_693 = arith.constant 0 : i32
        %dma_start3A_694 = arith.constant 0 : i32
        %dma_start3A_695 = tpu.memref_slice %arg2[%dma_start3A_693, %dma_start3A_694] : memref<100000x32xf32, #tpu.memory_space<hbm>> -> memref<100000x32xf32, #tpu.memory_space<hbm>>
        tpu.enqueue_indirect_dma source(%dma_start3A_695 : memref<100000x32xf32, #tpu.memory_space<hbm>>) target(%arg6 : memref<512x32xf32, #tpu.memory_space<vmem>>) offsets(%dma_start3A_692 : memref<512xi32, #tpu.memory_space<vmem>>) semaphore(%arg10 : memref<!tpu.dma_semaphore, #tpu.memory_space<semaphore_mem>>)
      } else {
      }
      %dma_wait3A_465 = arith.constant 0 : i32
      %dma_wait3A_466 = tpu.memref_slice %arg5[%add3A_457, %dma_wait3A_465] : memref<26x512xi32, #tpu.memory_space<vmem>> -> memref<1x512xi32, #tpu.memory_space<vmem>>
      %dma_wait3A_467 = tpu.memref_squeeze %dma_wait3A_466 : memref<1x512xi32, #tpu.memory_space<vmem>> -> memref<512xi32, #tpu.memory_space<vmem>>
      %dma_wait3A_468 = arith.constant 0 : i32
      %dma_wait3A_469 = arith.constant 0 : i32
      %dma_wait3A_470 = tpu.memref_slice %arg2[%dma_wait3A_468, %dma_wait3A_469] : memref<100000x32xf32, #tpu.memory_space<hbm>> -> memref<100000x32xf32, #tpu.memory_space<hbm>>
      tpu.wait_indirect_dma semaphore(%arg11 : memref<!tpu.dma_semaphore, #tpu.memory_space<semaphore_mem>>) src(%dma_wait3A_470 : memref<100000x32xf32, #tpu.memory_space<hbm>>) dst(%arg7 : memref<512x32xf32, #tpu.memory_space<vmem>>)
      %ge3A_471 = arith.constant 2 : i32
      %ge3A_472 = arith.cmpi sge, %add3A_457, %ge3A_471 : i32
      %convert_element_type3A_473 = arith.extui %ge3A_472 : i1 to i32
      %cond3A_474 = arith.constant 0 : i32
      %cond3A_475 = arith.cmpi ne, %convert_element_type3A_473, %cond3A_474 : i32
      scf.if %cond3A_475 {
        %sub3A = arith.constant 2 : i32
        %sub3A_688 = arith.subi %add3A_457, %sub3A : i32
        %mul3A_689 = arith.constant 4 : i32
        %mul3A_690 = arith.muli %add3A, %mul3A_689 : i32
        %mul3A_691 = arith.constant 4 : i32
        %mul3A_692 = arith.muli %add3A, %mul3A_691 : i32
        %mul3A_693 = arith.constant 4 : i32
        %mul3A_694 = arith.muli %add3A, %mul3A_693 : i32
        %mul3A_695 = arith.constant 4 : i32
        %mul3A_696 = arith.muli %add3A, %mul3A_695 : i32
        %dma_wait3A_697 = arith.constant 0 : i32
        %dma_wait3A_698 = arith.constant 0 : i32
        %dma_wait3A_699 = arith.constant 0 : i32
        %dma_wait3A_700 = arith.constant 0 : i32
        %dma_wait3A_701 = arith.constant 0 : i32
        %dma_wait3A_702 = tpu.memref_slice %arg9[%dma_wait3A_697, %dma_wait3A_699, %dma_wait3A_700, %dma_wait3A_701] : memref<4x4x8x128xf32, #tpu.memory_space<vmem>> -> memref<1x4x8x128xf32, #tpu.memory_space<vmem>>
        %dma_wait3A_703 = tpu.memref_squeeze %dma_wait3A_702 : memref<1x4x8x128xf32, #tpu.memory_space<vmem>> -> memref<4x8x128xf32, #tpu.memory_space<vmem>>
        %dma_wait3A_704 = arith.constant 0 : i32
        %dma_wait3A_705 = arith.constant 0 : i32
        %dma_wait3A_706 = tpu.memref_slice %arg4[%sub3A_688, %dma_wait3A_698, %mul3A_690, %dma_wait3A_704, %dma_wait3A_705] : memref<26x4x128x8x128xf32, #tpu.memory_space<hbm>> -> memref<1x1x4x8x128xf32, #tpu.memory_space<hbm>>
        %dma_wait3A_707 = tpu.memref_squeeze %dma_wait3A_706 : memref<1x1x4x8x128xf32, #tpu.memory_space<hbm>> -> memref<4x8x128xf32, #tpu.memory_space<hbm>>
        %dma_wait3A_708 = arith.constant 0 : i32
        %dma_wait3A_709 = arith.constant 0 : i32
        %dma_wait3A_710 = tpu.memref_slice %arg4[%sub3A_688, %dma_wait3A_698, %mul3A_690, %dma_wait3A_708, %dma_wait3A_709] : memref<26x4x128x8x128xf32, #tpu.memory_space<hbm>> -> memref<1x1x4x8x128xf32, #tpu.memory_space<hbm>>
        %dma_wait3A_711 = tpu.memref_squeeze %dma_wait3A_710 : memref<1x1x4x8x128xf32, #tpu.memory_space<hbm>> -> memref<4x8x128xf32, #tpu.memory_space<hbm>>
        %dma_wait3A_712 = arith.constant 0 : i32
        %dma_wait3A_713 = arith.constant 0 : i32
        %dma_wait3A_714 = arith.constant 0 : i32
        %dma_wait3A_715 = tpu.memref_slice %arg9[%dma_wait3A_697, %dma_wait3A_712, %dma_wait3A_713, %dma_wait3A_714] : memref<4x4x8x128xf32, #tpu.memory_space<vmem>> -> memref<1x4x8x128xf32, #tpu.memory_space<vmem>>
        %dma_wait3A_716 = tpu.memref_squeeze %dma_wait3A_715 : memref<1x4x8x128xf32, #tpu.memory_space<vmem>> -> memref<4x8x128xf32, #tpu.memory_space<vmem>>
        tpu.wait_dma2 semaphore(%arg13 : memref<!tpu.dma_semaphore, #tpu.memory_space<semaphore_mem>>) src(%dma_wait3A_716 : memref<4x8x128xf32, #tpu.memory_space<vmem>>) dst(%dma_wait3A_711 : memref<4x8x128xf32, #tpu.memory_space<hbm>>)
        %dma_wait3A_717 = arith.constant 1 : i32
        %dma_wait3A_718 = arith.constant 1 : i32
        %dma_wait3A_719 = arith.constant 0 : i32
        %dma_wait3A_720 = arith.constant 0 : i32
        %dma_wait3A_721 = arith.constant 0 : i32
        %dma_wait3A_722 = tpu.memref_slice %arg9[%dma_wait3A_717, %dma_wait3A_719, %dma_wait3A_720, %dma_wait3A_721] : memref<4x4x8x128xf32, #tpu.memory_space<vmem>> -> memref<1x4x8x128xf32, #tpu.memory_space<vmem>>
        %dma_wait3A_723 = tpu.memref_squeeze %dma_wait3A_722 : memref<1x4x8x128xf32, #tpu.memory_space<vmem>> -> memref<4x8x128xf32, #tpu.memory_space<vmem>>
        %dma_wait3A_724 = arith.constant 0 : i32
        %dma_wait3A_725 = arith.constant 0 : i32
        %dma_wait3A_726 = tpu.memref_slice %arg4[%sub3A_688, %dma_wait3A_718, %mul3A_692, %dma_wait3A_724, %dma_wait3A_725] : memref<26x4x128x8x128xf32, #tpu.memory_space<hbm>> -> memref<1x1x4x8x128xf32, #tpu.memory_space<hbm>>
        %dma_wait3A_727 = tpu.memref_squeeze %dma_wait3A_726 : memref<1x1x4x8x128xf32, #tpu.memory_space<hbm>> -> memref<4x8x128xf32, #tpu.memory_space<hbm>>
        %dma_wait3A_728 = arith.constant 0 : i32
        %dma_wait3A_729 = arith.constant 0 : i32
        %dma_wait3A_730 = tpu.memref_slice %arg4[%sub3A_688, %dma_wait3A_718, %mul3A_692, %dma_wait3A_728, %dma_wait3A_729] : memref<26x4x128x8x128xf32, #tpu.memory_space<hbm>> -> memref<1x1x4x8x128xf32, #tpu.memory_space<hbm>>
        %dma_wait3A_731 = tpu.memref_squeeze %dma_wait3A_730 : memref<1x1x4x8x128xf32, #tpu.memory_space<hbm>> -> memref<4x8x128xf32, #tpu.memory_space<hbm>>
        %dma_wait3A_732 = arith.constant 0 : i32
        %dma_wait3A_733 = arith.constant 0 : i32
        %dma_wait3A_734 = arith.constant 0 : i32
        %dma_wait3A_735 = tpu.memref_slice %arg9[%dma_wait3A_717, %dma_wait3A_732, %dma_wait3A_733, %dma_wait3A_734] : memref<4x4x8x128xf32, #tpu.memory_space<vmem>> -> memref<1x4x8x128xf32, #tpu.memory_space<vmem>>
        %dma_wait3A_736 = tpu.memref_squeeze %dma_wait3A_735 : memref<1x4x8x128xf32, #tpu.memory_space<vmem>> -> memref<4x8x128xf32, #tpu.memory_space<vmem>>
        tpu.wait_dma2 semaphore(%arg13 : memref<!tpu.dma_semaphore, #tpu.memory_space<semaphore_mem>>) src(%dma_wait3A_736 : memref<4x8x128xf32, #tpu.memory_space<vmem>>) dst(%dma_wait3A_731 : memref<4x8x128xf32, #tpu.memory_space<hbm>>)
        %dma_wait3A_737 = arith.constant 2 : i32
        %dma_wait3A_738 = arith.constant 2 : i32
        %dma_wait3A_739 = arith.constant 0 : i32
        %dma_wait3A_740 = arith.constant 0 : i32
        %dma_wait3A_741 = arith.constant 0 : i32
        %dma_wait3A_742 = tpu.memref_slice %arg9[%dma_wait3A_737, %dma_wait3A_739, %dma_wait3A_740, %dma_wait3A_741] : memref<4x4x8x128xf32, #tpu.memory_space<vmem>> -> memref<1x4x8x128xf32, #tpu.memory_space<vmem>>
        %dma_wait3A_743 = tpu.memref_squeeze %dma_wait3A_742 : memref<1x4x8x128xf32, #tpu.memory_space<vmem>> -> memref<4x8x128xf32, #tpu.memory_space<vmem>>
        %dma_wait3A_744 = arith.constant 0 : i32
        %dma_wait3A_745 = arith.constant 0 : i32
        %dma_wait3A_746 = tpu.memref_slice %arg4[%sub3A_688, %dma_wait3A_738, %mul3A_694, %dma_wait3A_744, %dma_wait3A_745] : memref<26x4x128x8x128xf32, #tpu.memory_space<hbm>> -> memref<1x1x4x8x128xf32, #tpu.memory_space<hbm>>
        %dma_wait3A_747 = tpu.memref_squeeze %dma_wait3A_746 : memref<1x1x4x8x128xf32, #tpu.memory_space<hbm>> -> memref<4x8x128xf32, #tpu.memory_space<hbm>>
        %dma_wait3A_748 = arith.constant 0 : i32
        %dma_wait3A_749 = arith.constant 0 : i32
        %dma_wait3A_750 = tpu.memref_slice %arg4[%sub3A_688, %dma_wait3A_738, %mul3A_694, %dma_wait3A_748, %dma_wait3A_749] : memref<26x4x128x8x128xf32, #tpu.memory_space<hbm>> -> memref<1x1x4x8x128xf32, #tpu.memory_space<hbm>>
        %dma_wait3A_751 = tpu.memref_squeeze %dma_wait3A_750 : memref<1x1x4x8x128xf32, #tpu.memory_space<hbm>> -> memref<4x8x128xf32, #tpu.memory_space<hbm>>
        %dma_wait3A_752 = arith.constant 0 : i32
        %dma_wait3A_753 = arith.constant 0 : i32
        %dma_wait3A_754 = arith.constant 0 : i32
        %dma_wait3A_755 = tpu.memref_slice %arg9[%dma_wait3A_737, %dma_wait3A_752, %dma_wait3A_753, %dma_wait3A_754] : memref<4x4x8x128xf32, #tpu.memory_space<vmem>> -> memref<1x4x8x128xf32, #tpu.memory_space<vmem>>
        %dma_wait3A_756 = tpu.memref_squeeze %dma_wait3A_755 : memref<1x4x8x128xf32, #tpu.memory_space<vmem>> -> memref<4x8x128xf32, #tpu.memory_space<vmem>>
        tpu.wait_dma2 semaphore(%arg13 : memref<!tpu.dma_semaphore, #tpu.memory_space<semaphore_mem>>) src(%dma_wait3A_756 : memref<4x8x128xf32, #tpu.memory_space<vmem>>) dst(%dma_wait3A_751 : memref<4x8x128xf32, #tpu.memory_space<hbm>>)
        %dma_wait3A_757 = arith.constant 3 : i32
        %dma_wait3A_758 = arith.constant 3 : i32
        %dma_wait3A_759 = arith.constant 0 : i32
        %dma_wait3A_760 = arith.constant 0 : i32
        %dma_wait3A_761 = arith.constant 0 : i32
        %dma_wait3A_762 = tpu.memref_slice %arg9[%dma_wait3A_757, %dma_wait3A_759, %dma_wait3A_760, %dma_wait3A_761] : memref<4x4x8x128xf32, #tpu.memory_space<vmem>> -> memref<1x4x8x128xf32, #tpu.memory_space<vmem>>
        %dma_wait3A_763 = tpu.memref_squeeze %dma_wait3A_762 : memref<1x4x8x128xf32, #tpu.memory_space<vmem>> -> memref<4x8x128xf32, #tpu.memory_space<vmem>>
        %dma_wait3A_764 = arith.constant 0 : i32
        %dma_wait3A_765 = arith.constant 0 : i32
        %dma_wait3A_766 = tpu.memref_slice %arg4[%sub3A_688, %dma_wait3A_758, %mul3A_696, %dma_wait3A_764, %dma_wait3A_765] : memref<26x4x128x8x128xf32, #tpu.memory_space<hbm>> -> memref<1x1x4x8x128xf32, #tpu.memory_space<hbm>>
        %dma_wait3A_767 = tpu.memref_squeeze %dma_wait3A_766 : memref<1x1x4x8x128xf32, #tpu.memory_space<hbm>> -> memref<4x8x128xf32, #tpu.memory_space<hbm>>
        %dma_wait3A_768 = arith.constant 0 : i32
        %dma_wait3A_769 = arith.constant 0 : i32
        %dma_wait3A_770 = tpu.memref_slice %arg4[%sub3A_688, %dma_wait3A_758, %mul3A_696, %dma_wait3A_768, %dma_wait3A_769] : memref<26x4x128x8x128xf32, #tpu.memory_space<hbm>> -> memref<1x1x4x8x128xf32, #tpu.memory_space<hbm>>
        %dma_wait3A_771 = tpu.memref_squeeze %dma_wait3A_770 : memref<1x1x4x8x128xf32, #tpu.memory_space<hbm>> -> memref<4x8x128xf32, #tpu.memory_space<hbm>>
        %dma_wait3A_772 = arith.constant 0 : i32
        %dma_wait3A_773 = arith.constant 0 : i32
        %dma_wait3A_774 = arith.constant 0 : i32
        %dma_wait3A_775 = tpu.memref_slice %arg9[%dma_wait3A_757, %dma_wait3A_772, %dma_wait3A_773, %dma_wait3A_774] : memref<4x4x8x128xf32, #tpu.memory_space<vmem>> -> memref<1x4x8x128xf32, #tpu.memory_space<vmem>>
        %dma_wait3A_776 = tpu.memref_squeeze %dma_wait3A_775 : memref<1x4x8x128xf32, #tpu.memory_space<vmem>> -> memref<4x8x128xf32, #tpu.memory_space<vmem>>
        tpu.wait_dma2 semaphore(%arg13 : memref<!tpu.dma_semaphore, #tpu.memory_space<semaphore_mem>>) src(%dma_wait3A_776 : memref<4x8x128xf32, #tpu.memory_space<vmem>>) dst(%dma_wait3A_771 : memref<4x8x128xf32, #tpu.memory_space<hbm>>)
      } else {
      }
      %broadcast_in_dim3A_476 = arith.constant 0 : i32
      %broadcast_in_dim3A_477 = vector.broadcast %broadcast_in_dim3A_476 : i32 to vector<16xi32>
      %add3A_478 = arith.constant 0 : i32
      %add3A_479 = vector.broadcast %add3A_478 : i32 to vector<16xi32>
      %add3A_480 = arith.addi %add3A_479, %add3A_5 : vector<16xi32>
      %add3A_481 = arith.constant 0 : i32
      %add3A_482 = vector.broadcast %add3A_481 : i32 to vector<16xi32>
      %add3A_483 = arith.addi %add3A_482, %add3A_8 : vector<16xi32>
      %add3A_484 = arith.constant 0 : i32
      %add3A_485 = vector.broadcast %add3A_484 : i32 to vector<16xi32>
      %add3A_486 = arith.addi %add3A_485, %add3A_11 : vector<16xi32>
      %add3A_487 = arith.constant 0 : i32
      %add3A_488 = vector.broadcast %add3A_487 : i32 to vector<16xi32>
      %add3A_489 = arith.addi %add3A_488, %add3A_14 : vector<16xi32>
      %add3A_490 = arith.constant 0 : i32
      %add3A_491 = vector.broadcast %add3A_490 : i32 to vector<16xi32>
      %add3A_492 = arith.addi %add3A_491, %add3A_17 : vector<16xi32>
      %add3A_493 = arith.constant 0 : i32
      %add3A_494 = vector.broadcast %add3A_493 : i32 to vector<16xi32>
      %add3A_495 = arith.addi %add3A_494, %add3A_20 : vector<16xi32>
      %add3A_496 = arith.constant 0 : i32
      %add3A_497 = vector.broadcast %add3A_496 : i32 to vector<16xi32>
      %add3A_498 = arith.addi %add3A_497, %add3A_23 : vector<16xi32>
      %add3A_499 = arith.constant 0 : i32
      %add3A_500 = vector.broadcast %add3A_499 : i32 to vector<16xi32>
      %add3A_501 = arith.addi %add3A_500, %add3A_26 : vector<16xi32>
      %scan3A_502 = arith.constant 0 : i32
      %scan3A_503 = arith.constant 32 : i32
      %scan3A_504 = arith.addi %scan3A_502, %scan3A_503 : i32
      %scan3A_505 = arith.constant 1 : i32
      scf.for %scan3A_688 = %scan3A_502 to %scan3A_504 step %scan3A_505  : i32 {
        %mul3A_689 = arith.constant 1 : i32
        %mul3A_690 = arith.muli %scan3A_688, %mul3A_689 : i32
        %add3A_691 = arith.constant 0 : i32
        %add3A_692 = arith.addi %add3A_691, %mul3A_690 : i32
        %add3A_693 = vector.broadcast %add3A_692 : i32 to vector<16xi32>
        %add3A_694 = arith.addi %add3A_693, %iota3A : vector<16xi32>
        %and3A = arith.constant 31 : i32
        %and3A_695 = vector.broadcast %and3A : i32 to vector<16xi32>
        %and3A_696 = arith.andi %add3A_694, %and3A_695 : vector<16xi32>
        %shift_right_arithmetic3A = arith.constant 3 : i32
        %shift_right_arithmetic3A_697 = vector.broadcast %shift_right_arithmetic3A : i32 to vector<16xi32>
        %shift_right_arithmetic3A_698 = arith.shrsi %and3A_696, %shift_right_arithmetic3A_697 : vector<16xi32>
        %and3A_699 = arith.constant 7 : i32
        %and3A_700 = vector.broadcast %and3A_699 : i32 to vector<16xi32>
        %and3A_701 = arith.andi %and3A_696, %and3A_700 : vector<16xi32>
        %gather3A = tpu.vector_load_idx %arg7[%add3A_480, %and3A_696] : memref<512x32xf32, #tpu.memory_space<vmem>>[vector<16xi32>, vector<16xi32>], vector<16xf32>,
        tpu.vector_store_idx %arg9[%shift_right_arithmetic3A_698, %broadcast_in_dim3A_477, %and3A_701, %add3A_5], %gather3A : memref<4x4x8x128xf32, #tpu.memory_space<vmem>>[vector<16xi32>, vector<16xi32>, vector<16xi32>, vector<16xi32>], vector<16xf32>,
        %gather3A_702 = tpu.vector_load_idx %arg7[%add3A_483, %and3A_696] : memref<512x32xf32, #tpu.memory_space<vmem>>[vector<16xi32>, vector<16xi32>], vector<16xf32>,
        tpu.vector_store_idx %arg9[%shift_right_arithmetic3A_698, %broadcast_in_dim3A_477, %and3A_701, %add3A_8], %gather3A_702 : memref<4x4x8x128xf32, #tpu.memory_space<vmem>>[vector<16xi32>, vector<16xi32>, vector<16xi32>, vector<16xi32>], vector<16xf32>,
        %gather3A_703 = tpu.vector_load_idx %arg7[%add3A_486, %and3A_696] : memref<512x32xf32, #tpu.memory_space<vmem>>[vector<16xi32>, vector<16xi32>], vector<16xf32>,
        tpu.vector_store_idx %arg9[%shift_right_arithmetic3A_698, %broadcast_in_dim3A_477, %and3A_701, %add3A_11], %gather3A_703 : memref<4x4x8x128xf32, #tpu.memory_space<vmem>>[vector<16xi32>, vector<16xi32>, vector<16xi32>, vector<16xi32>], vector<16xf32>,
        %gather3A_704 = tpu.vector_load_idx %arg7[%add3A_489, %and3A_696] : memref<512x32xf32, #tpu.memory_space<vmem>>[vector<16xi32>, vector<16xi32>], vector<16xf32>,
        tpu.vector_store_idx %arg9[%shift_right_arithmetic3A_698, %broadcast_in_dim3A_477, %and3A_701, %add3A_14], %gather3A_704 : memref<4x4x8x128xf32, #tpu.memory_space<vmem>>[vector<16xi32>, vector<16xi32>, vector<16xi32>, vector<16xi32>], vector<16xf32>,
        %gather3A_705 = tpu.vector_load_idx %arg7[%add3A_492, %and3A_696] : memref<512x32xf32, #tpu.memory_space<vmem>>[vector<16xi32>, vector<16xi32>], vector<16xf32>,
        tpu.vector_store_idx %arg9[%shift_right_arithmetic3A_698, %broadcast_in_dim3A_477, %and3A_701, %add3A_17], %gather3A_705 : memref<4x4x8x128xf32, #tpu.memory_space<vmem>>[vector<16xi32>, vector<16xi32>, vector<16xi32>, vector<16xi32>], vector<16xf32>,
        %gather3A_706 = tpu.vector_load_idx %arg7[%add3A_495, %and3A_696] : memref<512x32xf32, #tpu.memory_space<vmem>>[vector<16xi32>, vector<16xi32>], vector<16xf32>,
        tpu.vector_store_idx %arg9[%shift_right_arithmetic3A_698, %broadcast_in_dim3A_477, %and3A_701, %add3A_20], %gather3A_706 : memref<4x4x8x128xf32, #tpu.memory_space<vmem>>[vector<16xi32>, vector<16xi32>, vector<16xi32>, vector<16xi32>], vector<16xf32>,
        %gather3A_707 = tpu.vector_load_idx %arg7[%add3A_498, %and3A_696] : memref<512x32xf32, #tpu.memory_space<vmem>>[vector<16xi32>, vector<16xi32>], vector<16xf32>,
        tpu.vector_store_idx %arg9[%shift_right_arithmetic3A_698, %broadcast_in_dim3A_477, %and3A_701, %add3A_23], %gather3A_707 : memref<4x4x8x128xf32, #tpu.memory_space<vmem>>[vector<16xi32>, vector<16xi32>, vector<16xi32>, vector<16xi32>], vector<16xf32>,
        %gather3A_708 = tpu.vector_load_idx %arg7[%add3A_501, %and3A_696] : memref<512x32xf32, #tpu.memory_space<vmem>>[vector<16xi32>, vector<16xi32>], vector<16xf32>,
        tpu.vector_store_idx %arg9[%shift_right_arithmetic3A_698, %broadcast_in_dim3A_477, %and3A_701, %add3A_26], %gather3A_708 : memref<4x4x8x128xf32, #tpu.memory_space<vmem>>[vector<16xi32>, vector<16xi32>, vector<16xi32>, vector<16xi32>], vector<16xf32>,
      }
      %scan3A_506 = arith.constant 32 : i32
      %broadcast_in_dim3A_507 = arith.constant 1 : i32
      %broadcast_in_dim3A_508 = vector.broadcast %broadcast_in_dim3A_507 : i32 to vector<16xi32>
      %add3A_509 = arith.constant 128 : i32
      %add3A_510 = vector.broadcast %add3A_509 : i32 to vector<16xi32>
      %add3A_511 = arith.addi %add3A_510, %add3A_5 : vector<16xi32>
      %add3A_512 = arith.constant 128 : i32
      %add3A_513 = vector.broadcast %add3A_512 : i32 to vector<16xi32>
      %add3A_514 = arith.addi %add3A_513, %add3A_8 : vector<16xi32>
      %add3A_515 = arith.constant 128 : i32
      %add3A_516 = vector.broadcast %add3A_515 : i32 to vector<16xi32>
      %add3A_517 = arith.addi %add3A_516, %add3A_11 : vector<16xi32>
      %add3A_518 = arith.constant 128 : i32
      %add3A_519 = vector.broadcast %add3A_518 : i32 to vector<16xi32>
      %add3A_520 = arith.addi %add3A_519, %add3A_14 : vector<16xi32>
      %add3A_521 = arith.constant 128 : i32
      %add3A_522 = vector.broadcast %add3A_521 : i32 to vector<16xi32>
      %add3A_523 = arith.addi %add3A_522, %add3A_17 : vector<16xi32>
      %add3A_524 = arith.constant 128 : i32
      %add3A_525 = vector.broadcast %add3A_524 : i32 to vector<16xi32>
      %add3A_526 = arith.addi %add3A_525, %add3A_20 : vector<16xi32>
      %add3A_527 = arith.constant 128 : i32
      %add3A_528 = vector.broadcast %add3A_527 : i32 to vector<16xi32>
      %add3A_529 = arith.addi %add3A_528, %add3A_23 : vector<16xi32>
      %add3A_530 = arith.constant 128 : i32
      %add3A_531 = vector.broadcast %add3A_530 : i32 to vector<16xi32>
      %add3A_532 = arith.addi %add3A_531, %add3A_26 : vector<16xi32>
      %scan3A_533 = arith.constant 0 : i32
      %scan3A_534 = arith.constant 32 : i32
      %scan3A_535 = arith.addi %scan3A_533, %scan3A_534 : i32
      %scan3A_536 = arith.constant 1 : i32
      scf.for %scan3A_688 = %scan3A_533 to %scan3A_535 step %scan3A_536  : i32 {
        %mul3A_689 = arith.constant 1 : i32
        %mul3A_690 = arith.muli %scan3A_688, %mul3A_689 : i32
        %add3A_691 = arith.constant 0 : i32
        %add3A_692 = arith.addi %add3A_691, %mul3A_690 : i32
        %add3A_693 = vector.broadcast %add3A_692 : i32 to vector<16xi32>
        %add3A_694 = arith.addi %add3A_693, %iota3A : vector<16xi32>
        %and3A = arith.constant 31 : i32
        %and3A_695 = vector.broadcast %and3A : i32 to vector<16xi32>
        %and3A_696 = arith.andi %add3A_694, %and3A_695 : vector<16xi32>
        %shift_right_arithmetic3A = arith.constant 3 : i32
        %shift_right_arithmetic3A_697 = vector.broadcast %shift_right_arithmetic3A : i32 to vector<16xi32>
        %shift_right_arithmetic3A_698 = arith.shrsi %and3A_696, %shift_right_arithmetic3A_697 : vector<16xi32>
        %and3A_699 = arith.constant 7 : i32
        %and3A_700 = vector.broadcast %and3A_699 : i32 to vector<16xi32>
        %and3A_701 = arith.andi %and3A_696, %and3A_700 : vector<16xi32>
        %gather3A = tpu.vector_load_idx %arg7[%add3A_511, %and3A_696] : memref<512x32xf32, #tpu.memory_space<vmem>>[vector<16xi32>, vector<16xi32>], vector<16xf32>,
        tpu.vector_store_idx %arg9[%shift_right_arithmetic3A_698, %broadcast_in_dim3A_508, %and3A_701, %add3A_5], %gather3A : memref<4x4x8x128xf32, #tpu.memory_space<vmem>>[vector<16xi32>, vector<16xi32>, vector<16xi32>, vector<16xi32>], vector<16xf32>,
        %gather3A_702 = tpu.vector_load_idx %arg7[%add3A_514, %and3A_696] : memref<512x32xf32, #tpu.memory_space<vmem>>[vector<16xi32>, vector<16xi32>], vector<16xf32>,
        tpu.vector_store_idx %arg9[%shift_right_arithmetic3A_698, %broadcast_in_dim3A_508, %and3A_701, %add3A_8], %gather3A_702 : memref<4x4x8x128xf32, #tpu.memory_space<vmem>>[vector<16xi32>, vector<16xi32>, vector<16xi32>, vector<16xi32>], vector<16xf32>,
        %gather3A_703 = tpu.vector_load_idx %arg7[%add3A_517, %and3A_696] : memref<512x32xf32, #tpu.memory_space<vmem>>[vector<16xi32>, vector<16xi32>], vector<16xf32>,
        tpu.vector_store_idx %arg9[%shift_right_arithmetic3A_698, %broadcast_in_dim3A_508, %and3A_701, %add3A_11], %gather3A_703 : memref<4x4x8x128xf32, #tpu.memory_space<vmem>>[vector<16xi32>, vector<16xi32>, vector<16xi32>, vector<16xi32>], vector<16xf32>,
        %gather3A_704 = tpu.vector_load_idx %arg7[%add3A_520, %and3A_696] : memref<512x32xf32, #tpu.memory_space<vmem>>[vector<16xi32>, vector<16xi32>], vector<16xf32>,
        tpu.vector_store_idx %arg9[%shift_right_arithmetic3A_698, %broadcast_in_dim3A_508, %and3A_701, %add3A_14], %gather3A_704 : memref<4x4x8x128xf32, #tpu.memory_space<vmem>>[vector<16xi32>, vector<16xi32>, vector<16xi32>, vector<16xi32>], vector<16xf32>,
        %gather3A_705 = tpu.vector_load_idx %arg7[%add3A_523, %and3A_696] : memref<512x32xf32, #tpu.memory_space<vmem>>[vector<16xi32>, vector<16xi32>], vector<16xf32>,
        tpu.vector_store_idx %arg9[%shift_right_arithmetic3A_698, %broadcast_in_dim3A_508, %and3A_701, %add3A_17], %gather3A_705 : memref<4x4x8x128xf32, #tpu.memory_space<vmem>>[vector<16xi32>, vector<16xi32>, vector<16xi32>, vector<16xi32>], vector<16xf32>,
        %gather3A_706 = tpu.vector_load_idx %arg7[%add3A_526, %and3A_696] : memref<512x32xf32, #tpu.memory_space<vmem>>[vector<16xi32>, vector<16xi32>], vector<16xf32>,
        tpu.vector_store_idx %arg9[%shift_right_arithmetic3A_698, %broadcast_in_dim3A_508, %and3A_701, %add3A_20], %gather3A_706 : memref<4x4x8x128xf32, #tpu.memory_space<vmem>>[vector<16xi32>, vector<16xi32>, vector<16xi32>, vector<16xi32>], vector<16xf32>,
        %gather3A_707 = tpu.vector_load_idx %arg7[%add3A_529, %and3A_696] : memref<512x32xf32, #tpu.memory_space<vmem>>[vector<16xi32>, vector<16xi32>], vector<16xf32>,
        tpu.vector_store_idx %arg9[%shift_right_arithmetic3A_698, %broadcast_in_dim3A_508, %and3A_701, %add3A_23], %gather3A_707 : memref<4x4x8x128xf32, #tpu.memory_space<vmem>>[vector<16xi32>, vector<16xi32>, vector<16xi32>, vector<16xi32>], vector<16xf32>,
        %gather3A_708 = tpu.vector_load_idx %arg7[%add3A_532, %and3A_696] : memref<512x32xf32, #tpu.memory_space<vmem>>[vector<16xi32>, vector<16xi32>], vector<16xf32>,
        tpu.vector_store_idx %arg9[%shift_right_arithmetic3A_698, %broadcast_in_dim3A_508, %and3A_701, %add3A_26], %gather3A_708 : memref<4x4x8x128xf32, #tpu.memory_space<vmem>>[vector<16xi32>, vector<16xi32>, vector<16xi32>, vector<16xi32>], vector<16xf32>,
      }
      %scan3A_537 = arith.constant 32 : i32
      %broadcast_in_dim3A_538 = arith.constant 2 : i32
      %broadcast_in_dim3A_539 = vector.broadcast %broadcast_in_dim3A_538 : i32 to vector<16xi32>
      %add3A_540 = arith.constant 256 : i32
      %add3A_541 = vector.broadcast %add3A_540 : i32 to vector<16xi32>
      %add3A_542 = arith.addi %add3A_541, %add3A_5 : vector<16xi32>
      %add3A_543 = arith.constant 256 : i32
      %add3A_544 = vector.broadcast %add3A_543 : i32 to vector<16xi32>
      %add3A_545 = arith.addi %add3A_544, %add3A_8 : vector<16xi32>
      %add3A_546 = arith.constant 256 : i32
      %add3A_547 = vector.broadcast %add3A_546 : i32 to vector<16xi32>
      %add3A_548 = arith.addi %add3A_547, %add3A_11 : vector<16xi32>
      %add3A_549 = arith.constant 256 : i32
      %add3A_550 = vector.broadcast %add3A_549 : i32 to vector<16xi32>
      %add3A_551 = arith.addi %add3A_550, %add3A_14 : vector<16xi32>
      %add3A_552 = arith.constant 256 : i32
      %add3A_553 = vector.broadcast %add3A_552 : i32 to vector<16xi32>
      %add3A_554 = arith.addi %add3A_553, %add3A_17 : vector<16xi32>
      %add3A_555 = arith.constant 256 : i32
      %add3A_556 = vector.broadcast %add3A_555 : i32 to vector<16xi32>
      %add3A_557 = arith.addi %add3A_556, %add3A_20 : vector<16xi32>
      %add3A_558 = arith.constant 256 : i32
      %add3A_559 = vector.broadcast %add3A_558 : i32 to vector<16xi32>
      %add3A_560 = arith.addi %add3A_559, %add3A_23 : vector<16xi32>
      %add3A_561 = arith.constant 256 : i32
      %add3A_562 = vector.broadcast %add3A_561 : i32 to vector<16xi32>
      %add3A_563 = arith.addi %add3A_562, %add3A_26 : vector<16xi32>
      %scan3A_564 = arith.constant 0 : i32
      %scan3A_565 = arith.constant 32 : i32
      %scan3A_566 = arith.addi %scan3A_564, %scan3A_565 : i32
      %scan3A_567 = arith.constant 1 : i32
      scf.for %scan3A_688 = %scan3A_564 to %scan3A_566 step %scan3A_567  : i32 {
        %mul3A_689 = arith.constant 1 : i32
        %mul3A_690 = arith.muli %scan3A_688, %mul3A_689 : i32
        %add3A_691 = arith.constant 0 : i32
        %add3A_692 = arith.addi %add3A_691, %mul3A_690 : i32
        %add3A_693 = vector.broadcast %add3A_692 : i32 to vector<16xi32>
        %add3A_694 = arith.addi %add3A_693, %iota3A : vector<16xi32>
        %and3A = arith.constant 31 : i32
        %and3A_695 = vector.broadcast %and3A : i32 to vector<16xi32>
        %and3A_696 = arith.andi %add3A_694, %and3A_695 : vector<16xi32>
        %shift_right_arithmetic3A = arith.constant 3 : i32
        %shift_right_arithmetic3A_697 = vector.broadcast %shift_right_arithmetic3A : i32 to vector<16xi32>
        %shift_right_arithmetic3A_698 = arith.shrsi %and3A_696, %shift_right_arithmetic3A_697 : vector<16xi32>
        %and3A_699 = arith.constant 7 : i32
        %and3A_700 = vector.broadcast %and3A_699 : i32 to vector<16xi32>
        %and3A_701 = arith.andi %and3A_696, %and3A_700 : vector<16xi32>
        %gather3A = tpu.vector_load_idx %arg7[%add3A_542, %and3A_696] : memref<512x32xf32, #tpu.memory_space<vmem>>[vector<16xi32>, vector<16xi32>], vector<16xf32>,
        tpu.vector_store_idx %arg9[%shift_right_arithmetic3A_698, %broadcast_in_dim3A_539, %and3A_701, %add3A_5], %gather3A : memref<4x4x8x128xf32, #tpu.memory_space<vmem>>[vector<16xi32>, vector<16xi32>, vector<16xi32>, vector<16xi32>], vector<16xf32>,
        %gather3A_702 = tpu.vector_load_idx %arg7[%add3A_545, %and3A_696] : memref<512x32xf32, #tpu.memory_space<vmem>>[vector<16xi32>, vector<16xi32>], vector<16xf32>,
        tpu.vector_store_idx %arg9[%shift_right_arithmetic3A_698, %broadcast_in_dim3A_539, %and3A_701, %add3A_8], %gather3A_702 : memref<4x4x8x128xf32, #tpu.memory_space<vmem>>[vector<16xi32>, vector<16xi32>, vector<16xi32>, vector<16xi32>], vector<16xf32>,
        %gather3A_703 = tpu.vector_load_idx %arg7[%add3A_548, %and3A_696] : memref<512x32xf32, #tpu.memory_space<vmem>>[vector<16xi32>, vector<16xi32>], vector<16xf32>,
        tpu.vector_store_idx %arg9[%shift_right_arithmetic3A_698, %broadcast_in_dim3A_539, %and3A_701, %add3A_11], %gather3A_703 : memref<4x4x8x128xf32, #tpu.memory_space<vmem>>[vector<16xi32>, vector<16xi32>, vector<16xi32>, vector<16xi32>], vector<16xf32>,
        %gather3A_704 = tpu.vector_load_idx %arg7[%add3A_551, %and3A_696] : memref<512x32xf32, #tpu.memory_space<vmem>>[vector<16xi32>, vector<16xi32>], vector<16xf32>,
        tpu.vector_store_idx %arg9[%shift_right_arithmetic3A_698, %broadcast_in_dim3A_539, %and3A_701, %add3A_14], %gather3A_704 : memref<4x4x8x128xf32, #tpu.memory_space<vmem>>[vector<16xi32>, vector<16xi32>, vector<16xi32>, vector<16xi32>], vector<16xf32>,
        %gather3A_705 = tpu.vector_load_idx %arg7[%add3A_554, %and3A_696] : memref<512x32xf32, #tpu.memory_space<vmem>>[vector<16xi32>, vector<16xi32>], vector<16xf32>,
        tpu.vector_store_idx %arg9[%shift_right_arithmetic3A_698, %broadcast_in_dim3A_539, %and3A_701, %add3A_17], %gather3A_705 : memref<4x4x8x128xf32, #tpu.memory_space<vmem>>[vector<16xi32>, vector<16xi32>, vector<16xi32>, vector<16xi32>], vector<16xf32>,
        %gather3A_706 = tpu.vector_load_idx %arg7[%add3A_557, %and3A_696] : memref<512x32xf32, #tpu.memory_space<vmem>>[vector<16xi32>, vector<16xi32>], vector<16xf32>,
        tpu.vector_store_idx %arg9[%shift_right_arithmetic3A_698, %broadcast_in_dim3A_539, %and3A_701, %add3A_20], %gather3A_706 : memref<4x4x8x128xf32, #tpu.memory_space<vmem>>[vector<16xi32>, vector<16xi32>, vector<16xi32>, vector<16xi32>], vector<16xf32>,
        %gather3A_707 = tpu.vector_load_idx %arg7[%add3A_560, %and3A_696] : memref<512x32xf32, #tpu.memory_space<vmem>>[vector<16xi32>, vector<16xi32>], vector<16xf32>,
        tpu.vector_store_idx %arg9[%shift_right_arithmetic3A_698, %broadcast_in_dim3A_539, %and3A_701, %add3A_23], %gather3A_707 : memref<4x4x8x128xf32, #tpu.memory_space<vmem>>[vector<16xi32>, vector<16xi32>, vector<16xi32>, vector<16xi32>], vector<16xf32>,
        %gather3A_708 = tpu.vector_load_idx %arg7[%add3A_563, %and3A_696] : memref<512x32xf32, #tpu.memory_space<vmem>>[vector<16xi32>, vector<16xi32>], vector<16xf32>,
        tpu.vector_store_idx %arg9[%shift_right_arithmetic3A_698, %broadcast_in_dim3A_539, %and3A_701, %add3A_26], %gather3A_708 : memref<4x4x8x128xf32, #tpu.memory_space<vmem>>[vector<16xi32>, vector<16xi32>, vector<16xi32>, vector<16xi32>], vector<16xf32>,
      }
      %scan3A_568 = arith.constant 32 : i32
      %broadcast_in_dim3A_569 = arith.constant 3 : i32
      %broadcast_in_dim3A_570 = vector.broadcast %broadcast_in_dim3A_569 : i32 to vector<16xi32>
      %add3A_571 = arith.constant 384 : i32
      %add3A_572 = vector.broadcast %add3A_571 : i32 to vector<16xi32>
      %add3A_573 = arith.addi %add3A_572, %add3A_5 : vector<16xi32>
      %add3A_574 = arith.constant 384 : i32
      %add3A_575 = vector.broadcast %add3A_574 : i32 to vector<16xi32>
      %add3A_576 = arith.addi %add3A_575, %add3A_8 : vector<16xi32>
      %add3A_577 = arith.constant 384 : i32
      %add3A_578 = vector.broadcast %add3A_577 : i32 to vector<16xi32>
      %add3A_579 = arith.addi %add3A_578, %add3A_11 : vector<16xi32>
      %add3A_580 = arith.constant 384 : i32
      %add3A_581 = vector.broadcast %add3A_580 : i32 to vector<16xi32>
      %add3A_582 = arith.addi %add3A_581, %add3A_14 : vector<16xi32>
      %add3A_583 = arith.constant 384 : i32
      %add3A_584 = vector.broadcast %add3A_583 : i32 to vector<16xi32>
      %add3A_585 = arith.addi %add3A_584, %add3A_17 : vector<16xi32>
      %add3A_586 = arith.constant 384 : i32
      %add3A_587 = vector.broadcast %add3A_586 : i32 to vector<16xi32>
      %add3A_588 = arith.addi %add3A_587, %add3A_20 : vector<16xi32>
      %add3A_589 = arith.constant 384 : i32
      %add3A_590 = vector.broadcast %add3A_589 : i32 to vector<16xi32>
      %add3A_591 = arith.addi %add3A_590, %add3A_23 : vector<16xi32>
      %add3A_592 = arith.constant 384 : i32
      %add3A_593 = vector.broadcast %add3A_592 : i32 to vector<16xi32>
      %add3A_594 = arith.addi %add3A_593, %add3A_26 : vector<16xi32>
      %scan3A_595 = arith.constant 0 : i32
      %scan3A_596 = arith.constant 32 : i32
      %scan3A_597 = arith.addi %scan3A_595, %scan3A_596 : i32
      %scan3A_598 = arith.constant 1 : i32
      scf.for %scan3A_688 = %scan3A_595 to %scan3A_597 step %scan3A_598  : i32 {
        %mul3A_689 = arith.constant 1 : i32
        %mul3A_690 = arith.muli %scan3A_688, %mul3A_689 : i32
        %add3A_691 = arith.constant 0 : i32
        %add3A_692 = arith.addi %add3A_691, %mul3A_690 : i32
        %add3A_693 = vector.broadcast %add3A_692 : i32 to vector<16xi32>
        %add3A_694 = arith.addi %add3A_693, %iota3A : vector<16xi32>
        %and3A = arith.constant 31 : i32
        %and3A_695 = vector.broadcast %and3A : i32 to vector<16xi32>
        %and3A_696 = arith.andi %add3A_694, %and3A_695 : vector<16xi32>
        %shift_right_arithmetic3A = arith.constant 3 : i32
        %shift_right_arithmetic3A_697 = vector.broadcast %shift_right_arithmetic3A : i32 to vector<16xi32>
        %shift_right_arithmetic3A_698 = arith.shrsi %and3A_696, %shift_right_arithmetic3A_697 : vector<16xi32>
        %and3A_699 = arith.constant 7 : i32
        %and3A_700 = vector.broadcast %and3A_699 : i32 to vector<16xi32>
        %and3A_701 = arith.andi %and3A_696, %and3A_700 : vector<16xi32>
        %gather3A = tpu.vector_load_idx %arg7[%add3A_573, %and3A_696] : memref<512x32xf32, #tpu.memory_space<vmem>>[vector<16xi32>, vector<16xi32>], vector<16xf32>,
        tpu.vector_store_idx %arg9[%shift_right_arithmetic3A_698, %broadcast_in_dim3A_570, %and3A_701, %add3A_5], %gather3A : memref<4x4x8x128xf32, #tpu.memory_space<vmem>>[vector<16xi32>, vector<16xi32>, vector<16xi32>, vector<16xi32>], vector<16xf32>,
        %gather3A_702 = tpu.vector_load_idx %arg7[%add3A_576, %and3A_696] : memref<512x32xf32, #tpu.memory_space<vmem>>[vector<16xi32>, vector<16xi32>], vector<16xf32>,
        tpu.vector_store_idx %arg9[%shift_right_arithmetic3A_698, %broadcast_in_dim3A_570, %and3A_701, %add3A_8], %gather3A_702 : memref<4x4x8x128xf32, #tpu.memory_space<vmem>>[vector<16xi32>, vector<16xi32>, vector<16xi32>, vector<16xi32>], vector<16xf32>,
        %gather3A_703 = tpu.vector_load_idx %arg7[%add3A_579, %and3A_696] : memref<512x32xf32, #tpu.memory_space<vmem>>[vector<16xi32>, vector<16xi32>], vector<16xf32>,
        tpu.vector_store_idx %arg9[%shift_right_arithmetic3A_698, %broadcast_in_dim3A_570, %and3A_701, %add3A_11], %gather3A_703 : memref<4x4x8x128xf32, #tpu.memory_space<vmem>>[vector<16xi32>, vector<16xi32>, vector<16xi32>, vector<16xi32>], vector<16xf32>,
        %gather3A_704 = tpu.vector_load_idx %arg7[%add3A_582, %and3A_696] : memref<512x32xf32, #tpu.memory_space<vmem>>[vector<16xi32>, vector<16xi32>], vector<16xf32>,
        tpu.vector_store_idx %arg9[%shift_right_arithmetic3A_698, %broadcast_in_dim3A_570, %and3A_701, %add3A_14], %gather3A_704 : memref<4x4x8x128xf32, #tpu.memory_space<vmem>>[vector<16xi32>, vector<16xi32>, vector<16xi32>, vector<16xi32>], vector<16xf32>,
        %gather3A_705 = tpu.vector_load_idx %arg7[%add3A_585, %and3A_696] : memref<512x32xf32, #tpu.memory_space<vmem>>[vector<16xi32>, vector<16xi32>], vector<16xf32>,
        tpu.vector_store_idx %arg9[%shift_right_arithmetic3A_698, %broadcast_in_dim3A_570, %and3A_701, %add3A_17], %gather3A_705 : memref<4x4x8x128xf32, #tpu.memory_space<vmem>>[vector<16xi32>, vector<16xi32>, vector<16xi32>, vector<16xi32>], vector<16xf32>,
        %gather3A_706 = tpu.vector_load_idx %arg7[%add3A_588, %and3A_696] : memref<512x32xf32, #tpu.memory_space<vmem>>[vector<16xi32>, vector<16xi32>], vector<16xf32>,
        tpu.vector_store_idx %arg9[%shift_right_arithmetic3A_698, %broadcast_in_dim3A_570, %and3A_701, %add3A_20], %gather3A_706 : memref<4x4x8x128xf32, #tpu.memory_space<vmem>>[vector<16xi32>, vector<16xi32>, vector<16xi32>, vector<16xi32>], vector<16xf32>,
        %gather3A_707 = tpu.vector_load_idx %arg7[%add3A_591, %and3A_696] : memref<512x32xf32, #tpu.memory_space<vmem>>[vector<16xi32>, vector<16xi32>], vector<16xf32>,
        tpu.vector_store_idx %arg9[%shift_right_arithmetic3A_698, %broadcast_in_dim3A_570, %and3A_701, %add3A_23], %gather3A_707 : memref<4x4x8x128xf32, #tpu.memory_space<vmem>>[vector<16xi32>, vector<16xi32>, vector<16xi32>, vector<16xi32>], vector<16xf32>,
        %gather3A_708 = tpu.vector_load_idx %arg7[%add3A_594, %and3A_696] : memref<512x32xf32, #tpu.memory_space<vmem>>[vector<16xi32>, vector<16xi32>], vector<16xf32>,
        tpu.vector_store_idx %arg9[%shift_right_arithmetic3A_698, %broadcast_in_dim3A_570, %and3A_701, %add3A_26], %gather3A_708 : memref<4x4x8x128xf32, #tpu.memory_space<vmem>>[vector<16xi32>, vector<16xi32>, vector<16xi32>, vector<16xi32>], vector<16xf32>,
      }
      %scan3A_599 = arith.constant 32 : i32
      %mul3A_600 = arith.constant 4 : i32
      %mul3A_601 = arith.muli %add3A, %mul3A_600 : i32
      %mul3A_602 = arith.constant 4 : i32
      %mul3A_603 = arith.muli %add3A, %mul3A_602 : i32
      %mul3A_604 = arith.constant 4 : i32
      %mul3A_605 = arith.muli %add3A, %mul3A_604 : i32
      %mul3A_606 = arith.constant 4 : i32
      %mul3A_607 = arith.muli %add3A, %mul3A_606 : i32
      %dma_start3A_608 = arith.constant 0 : i32
      %dma_start3A_609 = arith.constant 0 : i32
      %dma_start3A_610 = arith.constant 0 : i32
      %dma_start3A_611 = arith.constant 0 : i32
      %dma_start3A_612 = arith.constant 0 : i32
      %dma_start3A_613 = tpu.memref_slice %arg9[%dma_start3A_608, %dma_start3A_610, %dma_start3A_611, %dma_start3A_612] : memref<4x4x8x128xf32, #tpu.memory_space<vmem>> -> memref<1x4x8x128xf32, #tpu.memory_space<vmem>>
      %dma_start3A_614 = tpu.memref_squeeze %dma_start3A_613 : memref<1x4x8x128xf32, #tpu.memory_space<vmem>> -> memref<4x8x128xf32, #tpu.memory_space<vmem>>
      %dma_start3A_615 = arith.constant 0 : i32
      %dma_start3A_616 = arith.constant 0 : i32
      %dma_start3A_617 = tpu.memref_slice %arg4[%add3A_457, %dma_start3A_609, %mul3A_601, %dma_start3A_615, %dma_start3A_616] : memref<26x4x128x8x128xf32, #tpu.memory_space<hbm>> -> memref<1x1x4x8x128xf32, #tpu.memory_space<hbm>>
      %dma_start3A_618 = tpu.memref_squeeze %dma_start3A_617 : memref<1x1x4x8x128xf32, #tpu.memory_space<hbm>> -> memref<4x8x128xf32, #tpu.memory_space<hbm>>
      %dma_start3A_619 = arith.constant 0 : i32
      %dma_start3A_620 = arith.constant 0 : i32
      %dma_start3A_621 = tpu.memref_slice %arg4[%add3A_457, %dma_start3A_609, %mul3A_601, %dma_start3A_619, %dma_start3A_620] : memref<26x4x128x8x128xf32, #tpu.memory_space<hbm>> -> memref<1x1x4x8x128xf32, #tpu.memory_space<hbm>>
      %dma_start3A_622 = tpu.memref_squeeze %dma_start3A_621 : memref<1x1x4x8x128xf32, #tpu.memory_space<hbm>> -> memref<4x8x128xf32, #tpu.memory_space<hbm>>
      %dma_start3A_623 = arith.constant 0 : i32
      %dma_start3A_624 = arith.constant 0 : i32
      %dma_start3A_625 = arith.constant 0 : i32
      %dma_start3A_626 = tpu.memref_slice %arg9[%dma_start3A_608, %dma_start3A_623, %dma_start3A_624, %dma_start3A_625] : memref<4x4x8x128xf32, #tpu.memory_space<vmem>> -> memref<1x4x8x128xf32, #tpu.memory_space<vmem>>
      %dma_start3A_627 = tpu.memref_squeeze %dma_start3A_626 : memref<1x4x8x128xf32, #tpu.memory_space<vmem>> -> memref<4x8x128xf32, #tpu.memory_space<vmem>>
      tpu.enqueue_dma source(%dma_start3A_627 : memref<4x8x128xf32, #tpu.memory_space<vmem>>) target(%dma_start3A_622 : memref<4x8x128xf32, #tpu.memory_space<hbm>>) target_semaphore(%arg13 : memref<!tpu.dma_semaphore, #tpu.memory_space<semaphore_mem>>)
      %dma_start3A_628 = arith.constant 1 : i32
      %dma_start3A_629 = arith.constant 1 : i32
      %dma_start3A_630 = arith.constant 0 : i32
      %dma_start3A_631 = arith.constant 0 : i32
      %dma_start3A_632 = arith.constant 0 : i32
      %dma_start3A_633 = tpu.memref_slice %arg9[%dma_start3A_628, %dma_start3A_630, %dma_start3A_631, %dma_start3A_632] : memref<4x4x8x128xf32, #tpu.memory_space<vmem>> -> memref<1x4x8x128xf32, #tpu.memory_space<vmem>>
      %dma_start3A_634 = tpu.memref_squeeze %dma_start3A_633 : memref<1x4x8x128xf32, #tpu.memory_space<vmem>> -> memref<4x8x128xf32, #tpu.memory_space<vmem>>
      %dma_start3A_635 = arith.constant 0 : i32
      %dma_start3A_636 = arith.constant 0 : i32
      %dma_start3A_637 = tpu.memref_slice %arg4[%add3A_457, %dma_start3A_629, %mul3A_603, %dma_start3A_635, %dma_start3A_636] : memref<26x4x128x8x128xf32, #tpu.memory_space<hbm>> -> memref<1x1x4x8x128xf32, #tpu.memory_space<hbm>>
      %dma_start3A_638 = tpu.memref_squeeze %dma_start3A_637 : memref<1x1x4x8x128xf32, #tpu.memory_space<hbm>> -> memref<4x8x128xf32, #tpu.memory_space<hbm>>
      %dma_start3A_639 = arith.constant 0 : i32
      %dma_start3A_640 = arith.constant 0 : i32
      %dma_start3A_641 = tpu.memref_slice %arg4[%add3A_457, %dma_start3A_629, %mul3A_603, %dma_start3A_639, %dma_start3A_640] : memref<26x4x128x8x128xf32, #tpu.memory_space<hbm>> -> memref<1x1x4x8x128xf32, #tpu.memory_space<hbm>>
      %dma_start3A_642 = tpu.memref_squeeze %dma_start3A_641 : memref<1x1x4x8x128xf32, #tpu.memory_space<hbm>> -> memref<4x8x128xf32, #tpu.memory_space<hbm>>
      %dma_start3A_643 = arith.constant 0 : i32
      %dma_start3A_644 = arith.constant 0 : i32
      %dma_start3A_645 = arith.constant 0 : i32
      %dma_start3A_646 = tpu.memref_slice %arg9[%dma_start3A_628, %dma_start3A_643, %dma_start3A_644, %dma_start3A_645] : memref<4x4x8x128xf32, #tpu.memory_space<vmem>> -> memref<1x4x8x128xf32, #tpu.memory_space<vmem>>
      %dma_start3A_647 = tpu.memref_squeeze %dma_start3A_646 : memref<1x4x8x128xf32, #tpu.memory_space<vmem>> -> memref<4x8x128xf32, #tpu.memory_space<vmem>>
      tpu.enqueue_dma source(%dma_start3A_647 : memref<4x8x128xf32, #tpu.memory_space<vmem>>) target(%dma_start3A_642 : memref<4x8x128xf32, #tpu.memory_space<hbm>>) target_semaphore(%arg13 : memref<!tpu.dma_semaphore, #tpu.memory_space<semaphore_mem>>)
      %dma_start3A_648 = arith.constant 2 : i32
      %dma_start3A_649 = arith.constant 2 : i32
      %dma_start3A_650 = arith.constant 0 : i32
      %dma_start3A_651 = arith.constant 0 : i32
      %dma_start3A_652 = arith.constant 0 : i32
      %dma_start3A_653 = tpu.memref_slice %arg9[%dma_start3A_648, %dma_start3A_650, %dma_start3A_651, %dma_start3A_652] : memref<4x4x8x128xf32, #tpu.memory_space<vmem>> -> memref<1x4x8x128xf32, #tpu.memory_space<vmem>>
      %dma_start3A_654 = tpu.memref_squeeze %dma_start3A_653 : memref<1x4x8x128xf32, #tpu.memory_space<vmem>> -> memref<4x8x128xf32, #tpu.memory_space<vmem>>
      %dma_start3A_655 = arith.constant 0 : i32
      %dma_start3A_656 = arith.constant 0 : i32
      %dma_start3A_657 = tpu.memref_slice %arg4[%add3A_457, %dma_start3A_649, %mul3A_605, %dma_start3A_655, %dma_start3A_656] : memref<26x4x128x8x128xf32, #tpu.memory_space<hbm>> -> memref<1x1x4x8x128xf32, #tpu.memory_space<hbm>>
      %dma_start3A_658 = tpu.memref_squeeze %dma_start3A_657 : memref<1x1x4x8x128xf32, #tpu.memory_space<hbm>> -> memref<4x8x128xf32, #tpu.memory_space<hbm>>
      %dma_start3A_659 = arith.constant 0 : i32
      %dma_start3A_660 = arith.constant 0 : i32
      %dma_start3A_661 = tpu.memref_slice %arg4[%add3A_457, %dma_start3A_649, %mul3A_605, %dma_start3A_659, %dma_start3A_660] : memref<26x4x128x8x128xf32, #tpu.memory_space<hbm>> -> memref<1x1x4x8x128xf32, #tpu.memory_space<hbm>>
      %dma_start3A_662 = tpu.memref_squeeze %dma_start3A_661 : memref<1x1x4x8x128xf32, #tpu.memory_space<hbm>> -> memref<4x8x128xf32, #tpu.memory_space<hbm>>
      %dma_start3A_663 = arith.constant 0 : i32
      %dma_start3A_664 = arith.constant 0 : i32
      %dma_start3A_665 = arith.constant 0 : i32
      %dma_start3A_666 = tpu.memref_slice %arg9[%dma_start3A_648, %dma_start3A_663, %dma_start3A_664, %dma_start3A_665] : memref<4x4x8x128xf32, #tpu.memory_space<vmem>> -> memref<1x4x8x128xf32, #tpu.memory_space<vmem>>
      %dma_start3A_667 = tpu.memref_squeeze %dma_start3A_666 : memref<1x4x8x128xf32, #tpu.memory_space<vmem>> -> memref<4x8x128xf32, #tpu.memory_space<vmem>>
      tpu.enqueue_dma source(%dma_start3A_667 : memref<4x8x128xf32, #tpu.memory_space<vmem>>) target(%dma_start3A_662 : memref<4x8x128xf32, #tpu.memory_space<hbm>>) target_semaphore(%arg13 : memref<!tpu.dma_semaphore, #tpu.memory_space<semaphore_mem>>)
      %dma_start3A_668 = arith.constant 3 : i32
      %dma_start3A_669 = arith.constant 3 : i32
      %dma_start3A_670 = arith.constant 0 : i32
      %dma_start3A_671 = arith.constant 0 : i32
      %dma_start3A_672 = arith.constant 0 : i32
      %dma_start3A_673 = tpu.memref_slice %arg9[%dma_start3A_668, %dma_start3A_670, %dma_start3A_671, %dma_start3A_672] : memref<4x4x8x128xf32, #tpu.memory_space<vmem>> -> memref<1x4x8x128xf32, #tpu.memory_space<vmem>>
      %dma_start3A_674 = tpu.memref_squeeze %dma_start3A_673 : memref<1x4x8x128xf32, #tpu.memory_space<vmem>> -> memref<4x8x128xf32, #tpu.memory_space<vmem>>
      %dma_start3A_675 = arith.constant 0 : i32
      %dma_start3A_676 = arith.constant 0 : i32
      %dma_start3A_677 = tpu.memref_slice %arg4[%add3A_457, %dma_start3A_669, %mul3A_607, %dma_start3A_675, %dma_start3A_676] : memref<26x4x128x8x128xf32, #tpu.memory_space<hbm>> -> memref<1x1x4x8x128xf32, #tpu.memory_space<hbm>>
      %dma_start3A_678 = tpu.memref_squeeze %dma_start3A_677 : memref<1x1x4x8x128xf32, #tpu.memory_space<hbm>> -> memref<4x8x128xf32, #tpu.memory_space<hbm>>
      %dma_start3A_679 = arith.constant 0 : i32
      %dma_start3A_680 = arith.constant 0 : i32
      %dma_start3A_681 = tpu.memref_slice %arg4[%add3A_457, %dma_start3A_669, %mul3A_607, %dma_start3A_679, %dma_start3A_680] : memref<26x4x128x8x128xf32, #tpu.memory_space<hbm>> -> memref<1x1x4x8x128xf32, #tpu.memory_space<hbm>>
      %dma_start3A_682 = tpu.memref_squeeze %dma_start3A_681 : memref<1x1x4x8x128xf32, #tpu.memory_space<hbm>> -> memref<4x8x128xf32, #tpu.memory_space<hbm>>
      %dma_start3A_683 = arith.constant 0 : i32
      %dma_start3A_684 = arith.constant 0 : i32
      %dma_start3A_685 = arith.constant 0 : i32
      %dma_start3A_686 = tpu.memref_slice %arg9[%dma_start3A_668, %dma_start3A_683, %dma_start3A_684, %dma_start3A_685] : memref<4x4x8x128xf32, #tpu.memory_space<vmem>> -> memref<1x4x8x128xf32, #tpu.memory_space<vmem>>
      %dma_start3A_687 = tpu.memref_squeeze %dma_start3A_686 : memref<1x4x8x128xf32, #tpu.memory_space<vmem>> -> memref<4x8x128xf32, #tpu.memory_space<vmem>>
      tpu.enqueue_dma source(%dma_start3A_687 : memref<4x8x128xf32, #tpu.memory_space<vmem>>) target(%dma_start3A_682 : memref<4x8x128xf32, #tpu.memory_space<hbm>>) target_semaphore(%arg13 : memref<!tpu.dma_semaphore, #tpu.memory_space<semaphore_mem>>)
    }
    %scan3A_36 = arith.constant 13 : i32
    %mul3A_37 = arith.constant 4 : i32
    %mul3A_38 = arith.muli %add3A, %mul3A_37 : i32
    %mul3A_39 = arith.constant 4 : i32
    %mul3A_40 = arith.muli %add3A, %mul3A_39 : i32
    %mul3A_41 = arith.constant 4 : i32
    %mul3A_42 = arith.muli %add3A, %mul3A_41 : i32
    %mul3A_43 = arith.constant 4 : i32
    %mul3A_44 = arith.muli %add3A, %mul3A_43 : i32
    %dma_wait3A = arith.constant 0 : i32
    %dma_wait3A_45 = arith.constant 24 : i32
    %dma_wait3A_46 = arith.constant 0 : i32
    %dma_wait3A_47 = arith.constant 0 : i32
    %dma_wait3A_48 = arith.constant 0 : i32
    %dma_wait3A_49 = arith.constant 0 : i32
    %dma_wait3A_50 = tpu.memref_slice %arg8[%dma_wait3A, %dma_wait3A_47, %dma_wait3A_48, %dma_wait3A_49] : memref<4x4x8x128xf32, #tpu.memory_space<vmem>> -> memref<1x4x8x128xf32, #tpu.memory_space<vmem>>
    %dma_wait3A_51 = tpu.memref_squeeze %dma_wait3A_50 : memref<1x4x8x128xf32, #tpu.memory_space<vmem>> -> memref<4x8x128xf32, #tpu.memory_space<vmem>>
    %dma_wait3A_52 = arith.constant 0 : i32
    %dma_wait3A_53 = arith.constant 0 : i32
    %dma_wait3A_54 = tpu.memref_slice %arg4[%dma_wait3A_45, %dma_wait3A_46, %mul3A_38, %dma_wait3A_52, %dma_wait3A_53] : memref<26x4x128x8x128xf32, #tpu.memory_space<hbm>> -> memref<1x1x4x8x128xf32, #tpu.memory_space<hbm>>
    %dma_wait3A_55 = tpu.memref_squeeze %dma_wait3A_54 : memref<1x1x4x8x128xf32, #tpu.memory_space<hbm>> -> memref<4x8x128xf32, #tpu.memory_space<hbm>>
    %dma_wait3A_56 = arith.constant 0 : i32
    %dma_wait3A_57 = arith.constant 0 : i32
    %dma_wait3A_58 = tpu.memref_slice %arg4[%dma_wait3A_45, %dma_wait3A_46, %mul3A_38, %dma_wait3A_56, %dma_wait3A_57] : memref<26x4x128x8x128xf32, #tpu.memory_space<hbm>> -> memref<1x1x4x8x128xf32, #tpu.memory_space<hbm>>
    %dma_wait3A_59 = tpu.memref_squeeze %dma_wait3A_58 : memref<1x1x4x8x128xf32, #tpu.memory_space<hbm>> -> memref<4x8x128xf32, #tpu.memory_space<hbm>>
    %dma_wait3A_60 = arith.constant 0 : i32
    %dma_wait3A_61 = arith.constant 0 : i32
    %dma_wait3A_62 = arith.constant 0 : i32
    %dma_wait3A_63 = tpu.memref_slice %arg8[%dma_wait3A, %dma_wait3A_60, %dma_wait3A_61, %dma_wait3A_62] : memref<4x4x8x128xf32, #tpu.memory_space<vmem>> -> memref<1x4x8x128xf32, #tpu.memory_space<vmem>>
    %dma_wait3A_64 = tpu.memref_squeeze %dma_wait3A_63 : memref<1x4x8x128xf32, #tpu.memory_space<vmem>> -> memref<4x8x128xf32, #tpu.memory_space<vmem>>
    tpu.wait_dma2 semaphore(%arg12 : memref<!tpu.dma_semaphore, #tpu.memory_space<semaphore_mem>>) src(%dma_wait3A_64 : memref<4x8x128xf32, #tpu.memory_space<vmem>>) dst(%dma_wait3A_59 : memref<4x8x128xf32, #tpu.memory_space<hbm>>)
    %dma_wait3A_65 = arith.constant 1 : i32
    %dma_wait3A_66 = arith.constant 24 : i32
    %dma_wait3A_67 = arith.constant 1 : i32
    %dma_wait3A_68 = arith.constant 0 : i32
    %dma_wait3A_69 = arith.constant 0 : i32
    %dma_wait3A_70 = arith.constant 0 : i32
    %dma_wait3A_71 = tpu.memref_slice %arg8[%dma_wait3A_65, %dma_wait3A_68, %dma_wait3A_69, %dma_wait3A_70] : memref<4x4x8x128xf32, #tpu.memory_space<vmem>> -> memref<1x4x8x128xf32, #tpu.memory_space<vmem>>
    %dma_wait3A_72 = tpu.memref_squeeze %dma_wait3A_71 : memref<1x4x8x128xf32, #tpu.memory_space<vmem>> -> memref<4x8x128xf32, #tpu.memory_space<vmem>>
    %dma_wait3A_73 = arith.constant 0 : i32
    %dma_wait3A_74 = arith.constant 0 : i32
    %dma_wait3A_75 = tpu.memref_slice %arg4[%dma_wait3A_66, %dma_wait3A_67, %mul3A_40, %dma_wait3A_73, %dma_wait3A_74] : memref<26x4x128x8x128xf32, #tpu.memory_space<hbm>> -> memref<1x1x4x8x128xf32, #tpu.memory_space<hbm>>
    %dma_wait3A_76 = tpu.memref_squeeze %dma_wait3A_75 : memref<1x1x4x8x128xf32, #tpu.memory_space<hbm>> -> memref<4x8x128xf32, #tpu.memory_space<hbm>>
    %dma_wait3A_77 = arith.constant 0 : i32
    %dma_wait3A_78 = arith.constant 0 : i32
    %dma_wait3A_79 = tpu.memref_slice %arg4[%dma_wait3A_66, %dma_wait3A_67, %mul3A_40, %dma_wait3A_77, %dma_wait3A_78] : memref<26x4x128x8x128xf32, #tpu.memory_space<hbm>> -> memref<1x1x4x8x128xf32, #tpu.memory_space<hbm>>
    %dma_wait3A_80 = tpu.memref_squeeze %dma_wait3A_79 : memref<1x1x4x8x128xf32, #tpu.memory_space<hbm>> -> memref<4x8x128xf32, #tpu.memory_space<hbm>>
    %dma_wait3A_81 = arith.constant 0 : i32
    %dma_wait3A_82 = arith.constant 0 : i32
    %dma_wait3A_83 = arith.constant 0 : i32
    %dma_wait3A_84 = tpu.memref_slice %arg8[%dma_wait3A_65, %dma_wait3A_81, %dma_wait3A_82, %dma_wait3A_83] : memref<4x4x8x128xf32, #tpu.memory_space<vmem>> -> memref<1x4x8x128xf32, #tpu.memory_space<vmem>>
    %dma_wait3A_85 = tpu.memref_squeeze %dma_wait3A_84 : memref<1x4x8x128xf32, #tpu.memory_space<vmem>> -> memref<4x8x128xf32, #tpu.memory_space<vmem>>
    tpu.wait_dma2 semaphore(%arg12 : memref<!tpu.dma_semaphore, #tpu.memory_space<semaphore_mem>>) src(%dma_wait3A_85 : memref<4x8x128xf32, #tpu.memory_space<vmem>>) dst(%dma_wait3A_80 : memref<4x8x128xf32, #tpu.memory_space<hbm>>)
    %dma_wait3A_86 = arith.constant 2 : i32
    %dma_wait3A_87 = arith.constant 24 : i32
    %dma_wait3A_88 = arith.constant 2 : i32
    %dma_wait3A_89 = arith.constant 0 : i32
    %dma_wait3A_90 = arith.constant 0 : i32
    %dma_wait3A_91 = arith.constant 0 : i32
    %dma_wait3A_92 = tpu.memref_slice %arg8[%dma_wait3A_86, %dma_wait3A_89, %dma_wait3A_90, %dma_wait3A_91] : memref<4x4x8x128xf32, #tpu.memory_space<vmem>> -> memref<1x4x8x128xf32, #tpu.memory_space<vmem>>
    %dma_wait3A_93 = tpu.memref_squeeze %dma_wait3A_92 : memref<1x4x8x128xf32, #tpu.memory_space<vmem>> -> memref<4x8x128xf32, #tpu.memory_space<vmem>>
    %dma_wait3A_94 = arith.constant 0 : i32
    %dma_wait3A_95 = arith.constant 0 : i32
    %dma_wait3A_96 = tpu.memref_slice %arg4[%dma_wait3A_87, %dma_wait3A_88, %mul3A_42, %dma_wait3A_94, %dma_wait3A_95] : memref<26x4x128x8x128xf32, #tpu.memory_space<hbm>> -> memref<1x1x4x8x128xf32, #tpu.memory_space<hbm>>
    %dma_wait3A_97 = tpu.memref_squeeze %dma_wait3A_96 : memref<1x1x4x8x128xf32, #tpu.memory_space<hbm>> -> memref<4x8x128xf32, #tpu.memory_space<hbm>>
    %dma_wait3A_98 = arith.constant 0 : i32
    %dma_wait3A_99 = arith.constant 0 : i32
    %dma_wait3A_100 = tpu.memref_slice %arg4[%dma_wait3A_87, %dma_wait3A_88, %mul3A_42, %dma_wait3A_98, %dma_wait3A_99] : memref<26x4x128x8x128xf32, #tpu.memory_space<hbm>> -> memref<1x1x4x8x128xf32, #tpu.memory_space<hbm>>
    %dma_wait3A_101 = tpu.memref_squeeze %dma_wait3A_100 : memref<1x1x4x8x128xf32, #tpu.memory_space<hbm>> -> memref<4x8x128xf32, #tpu.memory_space<hbm>>
    %dma_wait3A_102 = arith.constant 0 : i32
    %dma_wait3A_103 = arith.constant 0 : i32
    %dma_wait3A_104 = arith.constant 0 : i32
    %dma_wait3A_105 = tpu.memref_slice %arg8[%dma_wait3A_86, %dma_wait3A_102, %dma_wait3A_103, %dma_wait3A_104] : memref<4x4x8x128xf32, #tpu.memory_space<vmem>> -> memref<1x4x8x128xf32, #tpu.memory_space<vmem>>
    %dma_wait3A_106 = tpu.memref_squeeze %dma_wait3A_105 : memref<1x4x8x128xf32, #tpu.memory_space<vmem>> -> memref<4x8x128xf32, #tpu.memory_space<vmem>>
    tpu.wait_dma2 semaphore(%arg12 : memref<!tpu.dma_semaphore, #tpu.memory_space<semaphore_mem>>) src(%dma_wait3A_106 : memref<4x8x128xf32, #tpu.memory_space<vmem>>) dst(%dma_wait3A_101 : memref<4x8x128xf32, #tpu.memory_space<hbm>>)
    %dma_wait3A_107 = arith.constant 3 : i32
    %dma_wait3A_108 = arith.constant 24 : i32
    %dma_wait3A_109 = arith.constant 3 : i32
    %dma_wait3A_110 = arith.constant 0 : i32
    %dma_wait3A_111 = arith.constant 0 : i32
    %dma_wait3A_112 = arith.constant 0 : i32
    %dma_wait3A_113 = tpu.memref_slice %arg8[%dma_wait3A_107, %dma_wait3A_110, %dma_wait3A_111, %dma_wait3A_112] : memref<4x4x8x128xf32, #tpu.memory_space<vmem>> -> memref<1x4x8x128xf32, #tpu.memory_space<vmem>>
    %dma_wait3A_114 = tpu.memref_squeeze %dma_wait3A_113 : memref<1x4x8x128xf32, #tpu.memory_space<vmem>> -> memref<4x8x128xf32, #tpu.memory_space<vmem>>
    %dma_wait3A_115 = arith.constant 0 : i32
    %dma_wait3A_116 = arith.constant 0 : i32
    %dma_wait3A_117 = tpu.memref_slice %arg4[%dma_wait3A_108, %dma_wait3A_109, %mul3A_44, %dma_wait3A_115, %dma_wait3A_116] : memref<26x4x128x8x128xf32, #tpu.memory_space<hbm>> -> memref<1x1x4x8x128xf32, #tpu.memory_space<hbm>>
    %dma_wait3A_118 = tpu.memref_squeeze %dma_wait3A_117 : memref<1x1x4x8x128xf32, #tpu.memory_space<hbm>> -> memref<4x8x128xf32, #tpu.memory_space<hbm>>
    %dma_wait3A_119 = arith.constant 0 : i32
    %dma_wait3A_120 = arith.constant 0 : i32
    %dma_wait3A_121 = tpu.memref_slice %arg4[%dma_wait3A_108, %dma_wait3A_109, %mul3A_44, %dma_wait3A_119, %dma_wait3A_120] : memref<26x4x128x8x128xf32, #tpu.memory_space<hbm>> -> memref<1x1x4x8x128xf32, #tpu.memory_space<hbm>>
    %dma_wait3A_122 = tpu.memref_squeeze %dma_wait3A_121 : memref<1x1x4x8x128xf32, #tpu.memory_space<hbm>> -> memref<4x8x128xf32, #tpu.memory_space<hbm>>
    %dma_wait3A_123 = arith.constant 0 : i32
    %dma_wait3A_124 = arith.constant 0 : i32
    %dma_wait3A_125 = arith.constant 0 : i32
    %dma_wait3A_126 = tpu.memref_slice %arg8[%dma_wait3A_107, %dma_wait3A_123, %dma_wait3A_124, %dma_wait3A_125] : memref<4x4x8x128xf32, #tpu.memory_space<vmem>> -> memref<1x4x8x128xf32, #tpu.memory_space<vmem>>
    %dma_wait3A_127 = tpu.memref_squeeze %dma_wait3A_126 : memref<1x4x8x128xf32, #tpu.memory_space<vmem>> -> memref<4x8x128xf32, #tpu.memory_space<vmem>>
    tpu.wait_dma2 semaphore(%arg12 : memref<!tpu.dma_semaphore, #tpu.memory_space<semaphore_mem>>) src(%dma_wait3A_127 : memref<4x8x128xf32, #tpu.memory_space<vmem>>) dst(%dma_wait3A_122 : memref<4x8x128xf32, #tpu.memory_space<hbm>>)
    %mul3A_128 = arith.constant 4 : i32
    %mul3A_129 = arith.muli %add3A, %mul3A_128 : i32
    %mul3A_130 = arith.constant 4 : i32
    %mul3A_131 = arith.muli %add3A, %mul3A_130 : i32
    %mul3A_132 = arith.constant 4 : i32
    %mul3A_133 = arith.muli %add3A, %mul3A_132 : i32
    %mul3A_134 = arith.constant 4 : i32
    %mul3A_135 = arith.muli %add3A, %mul3A_134 : i32
    %dma_wait3A_136 = arith.constant 0 : i32
    %dma_wait3A_137 = arith.constant 25 : i32
    %dma_wait3A_138 = arith.constant 0 : i32
    %dma_wait3A_139 = arith.constant 0 : i32
    %dma_wait3A_140 = arith.constant 0 : i32
    %dma_wait3A_141 = arith.constant 0 : i32
    %dma_wait3A_142 = tpu.memref_slice %arg9[%dma_wait3A_136, %dma_wait3A_139, %dma_wait3A_140, %dma_wait3A_141] : memref<4x4x8x128xf32, #tpu.memory_space<vmem>> -> memref<1x4x8x128xf32, #tpu.memory_space<vmem>>
    %dma_wait3A_143 = tpu.memref_squeeze %dma_wait3A_142 : memref<1x4x8x128xf32, #tpu.memory_space<vmem>> -> memref<4x8x128xf32, #tpu.memory_space<vmem>>
    %dma_wait3A_144 = arith.constant 0 : i32
    %dma_wait3A_145 = arith.constant 0 : i32
    %dma_wait3A_146 = tpu.memref_slice %arg4[%dma_wait3A_137, %dma_wait3A_138, %mul3A_129, %dma_wait3A_144, %dma_wait3A_145] : memref<26x4x128x8x128xf32, #tpu.memory_space<hbm>> -> memref<1x1x4x8x128xf32, #tpu.memory_space<hbm>>
    %dma_wait3A_147 = tpu.memref_squeeze %dma_wait3A_146 : memref<1x1x4x8x128xf32, #tpu.memory_space<hbm>> -> memref<4x8x128xf32, #tpu.memory_space<hbm>>
    %dma_wait3A_148 = arith.constant 0 : i32
    %dma_wait3A_149 = arith.constant 0 : i32
    %dma_wait3A_150 = tpu.memref_slice %arg4[%dma_wait3A_137, %dma_wait3A_138, %mul3A_129, %dma_wait3A_148, %dma_wait3A_149] : memref<26x4x128x8x128xf32, #tpu.memory_space<hbm>> -> memref<1x1x4x8x128xf32, #tpu.memory_space<hbm>>
    %dma_wait3A_151 = tpu.memref_squeeze %dma_wait3A_150 : memref<1x1x4x8x128xf32, #tpu.memory_space<hbm>> -> memref<4x8x128xf32, #tpu.memory_space<hbm>>
    %dma_wait3A_152 = arith.constant 0 : i32
    %dma_wait3A_153 = arith.constant 0 : i32
    %dma_wait3A_154 = arith.constant 0 : i32
    %dma_wait3A_155 = tpu.memref_slice %arg9[%dma_wait3A_136, %dma_wait3A_152, %dma_wait3A_153, %dma_wait3A_154] : memref<4x4x8x128xf32, #tpu.memory_space<vmem>> -> memref<1x4x8x128xf32, #tpu.memory_space<vmem>>
    %dma_wait3A_156 = tpu.memref_squeeze %dma_wait3A_155 : memref<1x4x8x128xf32, #tpu.memory_space<vmem>> -> memref<4x8x128xf32, #tpu.memory_space<vmem>>
    tpu.wait_dma2 semaphore(%arg13 : memref<!tpu.dma_semaphore, #tpu.memory_space<semaphore_mem>>) src(%dma_wait3A_156 : memref<4x8x128xf32, #tpu.memory_space<vmem>>) dst(%dma_wait3A_151 : memref<4x8x128xf32, #tpu.memory_space<hbm>>)
    %dma_wait3A_157 = arith.constant 1 : i32
    %dma_wait3A_158 = arith.constant 25 : i32
    %dma_wait3A_159 = arith.constant 1 : i32
    %dma_wait3A_160 = arith.constant 0 : i32
    %dma_wait3A_161 = arith.constant 0 : i32
    %dma_wait3A_162 = arith.constant 0 : i32
    %dma_wait3A_163 = tpu.memref_slice %arg9[%dma_wait3A_157, %dma_wait3A_160, %dma_wait3A_161, %dma_wait3A_162] : memref<4x4x8x128xf32, #tpu.memory_space<vmem>> -> memref<1x4x8x128xf32, #tpu.memory_space<vmem>>
    %dma_wait3A_164 = tpu.memref_squeeze %dma_wait3A_163 : memref<1x4x8x128xf32, #tpu.memory_space<vmem>> -> memref<4x8x128xf32, #tpu.memory_space<vmem>>
    %dma_wait3A_165 = arith.constant 0 : i32
    %dma_wait3A_166 = arith.constant 0 : i32
    %dma_wait3A_167 = tpu.memref_slice %arg4[%dma_wait3A_158, %dma_wait3A_159, %mul3A_131, %dma_wait3A_165, %dma_wait3A_166] : memref<26x4x128x8x128xf32, #tpu.memory_space<hbm>> -> memref<1x1x4x8x128xf32, #tpu.memory_space<hbm>>
    %dma_wait3A_168 = tpu.memref_squeeze %dma_wait3A_167 : memref<1x1x4x8x128xf32, #tpu.memory_space<hbm>> -> memref<4x8x128xf32, #tpu.memory_space<hbm>>
    %dma_wait3A_169 = arith.constant 0 : i32
    %dma_wait3A_170 = arith.constant 0 : i32
    %dma_wait3A_171 = tpu.memref_slice %arg4[%dma_wait3A_158, %dma_wait3A_159, %mul3A_131, %dma_wait3A_169, %dma_wait3A_170] : memref<26x4x128x8x128xf32, #tpu.memory_space<hbm>> -> memref<1x1x4x8x128xf32, #tpu.memory_space<hbm>>
    %dma_wait3A_172 = tpu.memref_squeeze %dma_wait3A_171 : memref<1x1x4x8x128xf32, #tpu.memory_space<hbm>> -> memref<4x8x128xf32, #tpu.memory_space<hbm>>
    %dma_wait3A_173 = arith.constant 0 : i32
    %dma_wait3A_174 = arith.constant 0 : i32
    %dma_wait3A_175 = arith.constant 0 : i32
    %dma_wait3A_176 = tpu.memref_slice %arg9[%dma_wait3A_157, %dma_wait3A_173, %dma_wait3A_174, %dma_wait3A_175] : memref<4x4x8x128xf32, #tpu.memory_space<vmem>> -> memref<1x4x8x128xf32, #tpu.memory_space<vmem>>
    %dma_wait3A_177 = tpu.memref_squeeze %dma_wait3A_176 : memref<1x4x8x128xf32, #tpu.memory_space<vmem>> -> memref<4x8x128xf32, #tpu.memory_space<vmem>>
    tpu.wait_dma2 semaphore(%arg13 : memref<!tpu.dma_semaphore, #tpu.memory_space<semaphore_mem>>) src(%dma_wait3A_177 : memref<4x8x128xf32, #tpu.memory_space<vmem>>) dst(%dma_wait3A_172 : memref<4x8x128xf32, #tpu.memory_space<hbm>>)
    %dma_wait3A_178 = arith.constant 2 : i32
    %dma_wait3A_179 = arith.constant 25 : i32
    %dma_wait3A_180 = arith.constant 2 : i32
    %dma_wait3A_181 = arith.constant 0 : i32
    %dma_wait3A_182 = arith.constant 0 : i32
    %dma_wait3A_183 = arith.constant 0 : i32
    %dma_wait3A_184 = tpu.memref_slice %arg9[%dma_wait3A_178, %dma_wait3A_181, %dma_wait3A_182, %dma_wait3A_183] : memref<4x4x8x128xf32, #tpu.memory_space<vmem>> -> memref<1x4x8x128xf32, #tpu.memory_space<vmem>>
    %dma_wait3A_185 = tpu.memref_squeeze %dma_wait3A_184 : memref<1x4x8x128xf32, #tpu.memory_space<vmem>> -> memref<4x8x128xf32, #tpu.memory_space<vmem>>
    %dma_wait3A_186 = arith.constant 0 : i32
    %dma_wait3A_187 = arith.constant 0 : i32
    %dma_wait3A_188 = tpu.memref_slice %arg4[%dma_wait3A_179, %dma_wait3A_180, %mul3A_133, %dma_wait3A_186, %dma_wait3A_187] : memref<26x4x128x8x128xf32, #tpu.memory_space<hbm>> -> memref<1x1x4x8x128xf32, #tpu.memory_space<hbm>>
    %dma_wait3A_189 = tpu.memref_squeeze %dma_wait3A_188 : memref<1x1x4x8x128xf32, #tpu.memory_space<hbm>> -> memref<4x8x128xf32, #tpu.memory_space<hbm>>
    %dma_wait3A_190 = arith.constant 0 : i32
    %dma_wait3A_191 = arith.constant 0 : i32
    %dma_wait3A_192 = tpu.memref_slice %arg4[%dma_wait3A_179, %dma_wait3A_180, %mul3A_133, %dma_wait3A_190, %dma_wait3A_191] : memref<26x4x128x8x128xf32, #tpu.memory_space<hbm>> -> memref<1x1x4x8x128xf32, #tpu.memory_space<hbm>>
    %dma_wait3A_193 = tpu.memref_squeeze %dma_wait3A_192 : memref<1x1x4x8x128xf32, #tpu.memory_space<hbm>> -> memref<4x8x128xf32, #tpu.memory_space<hbm>>
    %dma_wait3A_194 = arith.constant 0 : i32
    %dma_wait3A_195 = arith.constant 0 : i32
    %dma_wait3A_196 = arith.constant 0 : i32
    %dma_wait3A_197 = tpu.memref_slice %arg9[%dma_wait3A_178, %dma_wait3A_194, %dma_wait3A_195, %dma_wait3A_196] : memref<4x4x8x128xf32, #tpu.memory_space<vmem>> -> memref<1x4x8x128xf32, #tpu.memory_space<vmem>>
    %dma_wait3A_198 = tpu.memref_squeeze %dma_wait3A_197 : memref<1x4x8x128xf32, #tpu.memory_space<vmem>> -> memref<4x8x128xf32, #tpu.memory_space<vmem>>
    tpu.wait_dma2 semaphore(%arg13 : memref<!tpu.dma_semaphore, #tpu.memory_space<semaphore_mem>>) src(%dma_wait3A_198 : memref<4x8x128xf32, #tpu.memory_space<vmem>>) dst(%dma_wait3A_193 : memref<4x8x128xf32, #tpu.memory_space<hbm>>)
    %dma_wait3A_199 = arith.constant 3 : i32
    %dma_wait3A_200 = arith.constant 25 : i32
    %dma_wait3A_201 = arith.constant 3 : i32
    %dma_wait3A_202 = arith.constant 0 : i32
    %dma_wait3A_203 = arith.constant 0 : i32
    %dma_wait3A_204 = arith.constant 0 : i32
    %dma_wait3A_205 = tpu.memref_slice %arg9[%dma_wait3A_199, %dma_wait3A_202, %dma_wait3A_203, %dma_wait3A_204] : memref<4x4x8x128xf32, #tpu.memory_space<vmem>> -> memref<1x4x8x128xf32, #tpu.memory_space<vmem>>
    %dma_wait3A_206 = tpu.memref_squeeze %dma_wait3A_205 : memref<1x4x8x128xf32, #tpu.memory_space<vmem>> -> memref<4x8x128xf32, #tpu.memory_space<vmem>>
    %dma_wait3A_207 = arith.constant 0 : i32
    %dma_wait3A_208 = arith.constant 0 : i32
    %dma_wait3A_209 = tpu.memref_slice %arg4[%dma_wait3A_200, %dma_wait3A_201, %mul3A_135, %dma_wait3A_207, %dma_wait3A_208] : memref<26x4x128x8x128xf32, #tpu.memory_space<hbm>> -> memref<1x1x4x8x128xf32, #tpu.memory_space<hbm>>
    %dma_wait3A_210 = tpu.memref_squeeze %dma_wait3A_209 : memref<1x1x4x8x128xf32, #tpu.memory_space<hbm>> -> memref<4x8x128xf32, #tpu.memory_space<hbm>>
    %dma_wait3A_211 = arith.constant 0 : i32
    %dma_wait3A_212 = arith.constant 0 : i32
    %dma_wait3A_213 = tpu.memref_slice %arg4[%dma_wait3A_200, %dma_wait3A_201, %mul3A_135, %dma_wait3A_211, %dma_wait3A_212] : memref<26x4x128x8x128xf32, #tpu.memory_space<hbm>> -> memref<1x1x4x8x128xf32, #tpu.memory_space<hbm>>
    %dma_wait3A_214 = tpu.memref_squeeze %dma_wait3A_213 : memref<1x1x4x8x128xf32, #tpu.memory_space<hbm>> -> memref<4x8x128xf32, #tpu.memory_space<hbm>>
    %dma_wait3A_215 = arith.constant 0 : i32
    %dma_wait3A_216 = arith.constant 0 : i32
    %dma_wait3A_217 = arith.constant 0 : i32
    %dma_wait3A_218 = tpu.memref_slice %arg9[%dma_wait3A_199, %dma_wait3A_215, %dma_wait3A_216, %dma_wait3A_217] : memref<4x4x8x128xf32, #tpu.memory_space<vmem>> -> memref<1x4x8x128xf32, #tpu.memory_space<vmem>>
    %dma_wait3A_219 = tpu.memref_squeeze %dma_wait3A_218 : memref<1x4x8x128xf32, #tpu.memory_space<vmem>> -> memref<4x8x128xf32, #tpu.memory_space<vmem>>
    tpu.wait_dma2 semaphore(%arg13 : memref<!tpu.dma_semaphore, #tpu.memory_space<semaphore_mem>>) src(%dma_wait3A_219 : memref<4x8x128xf32, #tpu.memory_space<vmem>>) dst(%dma_wait3A_214 : memref<4x8x128xf32, #tpu.memory_space<hbm>>)
    return
  }
}

</mosaic_0001>

<sc_bundles>
// kernel: kernel.3.cloned.1.call-start
scs
__scs_entry_jumppad:
0x0: {  	(pc) =	sbr.rel $0x88, $3  }
0x1: {  	(tag) =	ssettag $0x0;
	lr =	simm.s32 $0x1  }
0x2: {  	[smem:$0x3F9F] =	sst lr;
	_ =	strace $0xD0000000  }
0x3: {  	_ = 	snop  }
0x4: {  	_ = 	snop  }
0x5: {  	_ = 	snop  }
0x6: {  	_ = 	snop  }
0x7: {  	_ = 	snop  }
__scs_overlays_trampoline_lowered:
0x8: {  	[smem:$0x3FAE] =	sst s0  }
0x9: {  	[smem:$0x3FAF] =	sst s1  }
0xa: {  	[smem:$0x3FB0] =	sst s2  }
0xb: {  	[smem:$0x3FB1] =	sst s3  }
0xc: {  	[smem:$0x3FB2] =	sst s4  }
0xd: {  	[smem:$0x3FB3] =	sst s5  }
0xe: {  	[smem:$0x3FB4] =	sst s6  }
0xf: {  	[smem:$0x3FB5] =	sst s7  }
0x10: {  	[smem:$0x3FB6] =	sst s8  }
0x11: {  	[smem:$0x3FB7] =	sst s9;
	s0 =	simm.s32 @!p0 $0x0  }
0x12: {  	s1 =	sld [smem:$0x3F9D];
	s0 =	simm.s32 @p0 $0x1  }
0x13: {  	[smem:$0x3FB8] =	sst s0;
	s0 =	simm.s32 @!p1 $0x0  }
0x14: {  	s2 =	sld [smem:$0x3F9C];
	s0 =	simm.s32 @p1 $0x1  }
0x15: {  	[smem:$0x3FB9] =	sst s0;
	s0 =	simm.s32 @!p2 $0x0  }
0x16: {  	s3 =	sld [smem:$0x3FDB];
	s0 =	simm.s32 @p2 $0x1  }
0x17: {  	s4 =	simm.s32 $0x1BF5;
	[smem:$0x3FBB] =	sst s0  }
0x18: {  	s0 =	sld [smem:$0x3F9E];
	_ =	swait.ge [sflag:s4], $0x0  }
0x19: {  	s7 =	sld [smem:$0x3F9F]  }
0x1a: {  	s8 =	sadd.s32 $0xFFFFE003, lr  }
0x1b: {  	s9 =	sadd.s32 $0xFFFFFEF7, lr;
	s5 =	simm.s32 $0xFFFFFFFF;
	p2 =	slt.u32 s8, $0xFFFFF086  }
0x1c: {  	p1 =	slt.u32 s9, $0xF7A;
	s5 =	simm.s32 @!p2 $0x0  }
0x1d: {  	s5 =	simm.s32 @p1 $0x1;
	p0 =	seq.s32 s7, s2  }
0x1e: {  	s7 =	smul.u32 @!p0 $0xF7A, s2;
	p2 =	seq.s32 @!p0 s5, $0x0  }
0x1f: {  	s9 =	smul.u32 $0xF7A, s1;
	s8 =	simm.s32 @!p0 $0x1BF5;
	p2 =	por !p2, p0  }
0x20: {  	[sflag:s8] =	ssyncset.s32 @!p0 $0xFFFFF086;
	s6 =	sadd.s32 @!p0 s3, s7;
	s7 =	simm.s32 @!p0 $0x108  }
0x21: {  	s3 =	sadd.s32 s3, s9;
	s6 =	sadd.s32 @!p0 $0x88, s6;
	s7 =	simm.s32 @p2 $0x1082  }
0x22: {  	[simem:s7], [sflag:s8] =	dma.local @!p0 [hbm:s6], $0xF7A  }
0x23: {  	s9 =	sor.u32 $0xD0000000, s2;
	s6 =	simm.s32 $0x108;
	_ =	swait.ge @!p0 [sflag:s8], $0x0  }
0x24: {  	s3 =	sadd.s32 $0x88, s3;
	s6 =	simm.s32 @!p1 $0x1082;
	[sflag:s4] =	ssyncset.s32 $0xFFFFF086  }
0x25: {  	[simem:s6], [sflag:s4] =	dma.local [hbm:s3], $0xF7A  }
0x26: {  	[smem:$0x3F9F] =	sst s1;
	(tag) =	ssettag s2;
	_ =	strace s9  }
0x27: {  	s1 =	sld [smem:$0x3FAF]  }
0x28: {  	s2 =	sld [smem:$0x3FB0]  }
0x29: {  	s4 =	sld [smem:$0x3FB2]  }
0x2a: {  	p0 =	seq.s32 s5, $0x0;
	s5 =	sld [smem:$0x3FB3]  }
0x2b: {  	s6 =	sld [smem:$0x3FB4]  }
0x2c: {  	s7 =	sld [smem:$0x3FB5]  }
0x2d: {  	s3 =	simm.s32 $0x108;
	s8 =	sld [smem:$0x3FB6]  }
0x2e: {  	s3 =	simm.s32 @!p0 $0x1082;
	s9 =	sld [smem:$0x3FB7]  }
0x2f: {  	lr =	sadd.s32 s0, s3;
	s0 =	sld [smem:$0x3FAE]  }
0x30: {  	s3 =	sld [smem:$0x3FB1]  }
0x31: {  	[smem:$0x3FBA] =	sst s10  }
0x32: {  	s10 =	sld [smem:$0x3FB8];
	_ =	sdelay $0x3  }
0x33: {  	p0 =	seq.s32 s10, $0x1;
	s10 =	sld [smem:$0x3FBA];
	_ =	sdelay $0x3  }
0x34: {  	[smem:$0x3FBA] =	sst s10  }
0x35: {  	s10 =	sld [smem:$0x3FB9];
	_ =	sdelay $0x3  }
0x36: {  	p1 =	seq.s32 s10, $0x1;
	s10 =	sld [smem:$0x3FBA];
	_ =	sdelay $0x3  }
0x37: {  	[smem:$0x3FBA] =	sst s10  }
0x38: {  	s10 =	sld [smem:$0x3FBB]  }
0x39: {  	_ = 	snop;
	(pc) =	sbr.ind lr, $3  }
0x3a: {  	_ = 	snop  }
0x3b: {  	_ = 	snop  }
0x3c: {  	p2 =	seq.s32 s10, $0x1;
	s10 =	sld [smem:$0x3FBA]  }
0x3d: {  	_ =	shalt  }
0x3e: {  	_ =	shalt  }
0x3f: {  	_ =	shalt  }
0x40: {  	_ =	shalt  }
0x41: {  	_ =	shalt  }
0x42: {  	_ =	shalt  }
0x43: {  	_ =	shalt  }
0x44: {  	_ =	shalt  }
0x45: {  	_ =	shalt  }
0x46: {  	_ =	shalt  }
0x47: {  	_ =	shalt  }
0x48: {  	_ =	shalt  }
0x49: {  	_ =	shalt  }
0x4a: {  	_ =	shalt  }
0x4b: {  	_ =	shalt  }
0x4c: {  	_ =	shalt  }
0x4d: {  	_ =	shalt  }
0x4e: {  	_ =	shalt  }
0x4f: {  	_ =	shalt  }
0x50: {  	_ =	shalt  }
0x51: {  	_ =	shalt  }
0x52: {  	_ =	shalt  }
0x53: {  	_ =	shalt  }
0x54: {  	_ =	shalt  }
0x55: {  	_ =	shalt  }
0x56: {  	_ =	shalt  }
0x57: {  	_ =	shalt  }
0x58: {  	_ =	shalt  }
0x59: {  	_ =	shalt  }
0x5a: {  	_ =	shalt  }
0x5b: {  	_ =	shalt  }
0x5c: {  	_ =	shalt  }
0x5d: {  	_ =	shalt  }
0x5e: {  	_ =	shalt  }
0x5f: {  	_ =	shalt  }
0x60: {  	_ =	shalt  }
0x61: {  	_ =	shalt  }
0x62: {  	_ =	shalt  }
0x63: {  	_ =	shalt  }
0x64: {  	_ =	shalt  }
0x65: {  	_ =	shalt  }
0x66: {  	_ =	shalt  }
0x67: {  	_ =	shalt  }
0x68: {  	_ =	shalt  }
0x69: {  	_ =	shalt  }
0x6a: {  	_ =	shalt  }
0x6b: {  	_ =	shalt  }
0x6c: {  	_ =	shalt  }
0x6d: {  	_ =	shalt  }
0x6e: {  	_ =	shalt  }
0x6f: {  	_ =	shalt  }
0x70: {  	_ =	shalt  }
0x71: {  	_ =	shalt  }
0x72: {  	_ =	shalt  }
0x73: {  	_ =	shalt  }
0x74: {  	_ =	shalt  }
0x75: {  	_ =	shalt  }
0x76: {  	_ =	shalt  }
0x77: {  	_ =	shalt  }
0x78: {  	_ =	shalt  }
0x79: {  	_ =	shalt  }
0x7a: {  	_ =	shalt  }
0x7b: {  	_ =	shalt  }
0x7c: {  	_ =	shalt  }
0x7d: {  	_ =	shalt  }
0x7e: {  	_ =	shalt  }
0x7f: {  	_ =	shalt  }
0x80: {  	_ =	shalt  }
0x81: {  	_ =	shalt  }
0x82: {  	_ =	shalt  }
0x83: {  	_ =	shalt  }
0x84: {  	_ =	shalt  }
0x85: {  	_ =	shalt  }
0x86: {  	_ =	shalt  }
0x87: {  	_ =	shalt  }
.Lfunc_end0:
.L_simem_size_0:
called_computation_lowered:
.L_overlay_start_0:
0x88: {  	s2 =	sld [smem:$0x3FD9]  }
0x89: {  	s3 =	sld [smem:$0x3FFE];
	_ =	sdelay $0x1  }
0x8a: {  	s1 =	srdreg.scid  }
0x8b: {  	s0 =	sand.u32 $0x1, s1  }
0x8c: {  	s17 =	sshll.u32 s0, $0xA;
	s2 =	sadd.s32 s3, s2  }
0x8d: {  	s2 =	sadd.s32 s2, s17  }
0x8e: {  	[smem:$0x3FC6] =	sst s2  }
0x8f: {  	_ = 	snop  }
0x90: {  	s2 =	sld [smem:$0x3FD0];
	(tm) =	ssettm $0x1  }
0x91: {  	s18 =	sld [smem:$0x3FFB];
	_ =	sdelay $0x3  }
0x92: {  	_ =	strace s18  }
0x93: {  	s3 =	sld [smem:$0x3FFC];
	_ =	sdelay $0x3  }
0x94: {  	_ =	strace s3  }
0x95: {  	s3 =	sld [smem:$0x3FFD];
	_ =	sdelay $0x3  }
0x96: {  	_ =	strace s3  }
0x97: {  	_ =	strace $0x8FFFFFFF  }
0x98: {  	s19 =	sld [smem:$0x3FDB];
	_ =	sdelay $0x1  }
0x99: {  	s4 =	simm.s32 $_scs_section_size  }
0x9a: {  	s5 =	simm.s32 $_size__tile_overlayer_lowered;
	s6 =	simm.s32 $_tile_overlayer_lowered  }
0x9b: {  	s22 =	simm.s32 $0x1BFF;
	s21 =	sshll.u32 s6, $0x1;
	s3 =	sadd.s32 s4, s19  }
0x9c: {  	s7 =	simm.s32 $0x0;
	s20 =	sshll.u32 s5, $0x1;
	s5 =	sadd.s32 s21, s3  }
0x9d: {  	[timem:s7], [sflag:s22] =	dma.local [hbm:s5], s20  }
0x9e: {  	_ =	swait.ge [sflag:s22], s20  }
0x9f: {  	s4 =	ssub.s32 $0x0, s20;
	[sflag:s22] =	ssyncset.done $0x0  }
0xa0: {  	[sflag:s22] =	ssyncadd.s32 s4;
	_ =	sdelay $0x1  }
0xa1: {  	s23 =	simm.s32 $0x1B8B  }
0xa2: {  	_ =	swait.ge [sflag:s23], $0x1  }
0xa3: {  	[sflag:s23] =	ssyncset.done $0x0  }
0xa4: {  	s25 =	simm.s32 $0x1B8E;
	s24 =	sld [smem:$0x3FFE];
	[sflag:s23] =	ssyncadd.s32 $0xFFFFFFFF  }
0xa5: {  	s26 =	simm.s32 $execute0_lowered;
	[smem:$0x3FD2] =	sst s25  }
0xa6: {  	s5 =	sshll.u32 s26, $0x1;
	_ =	strace $0x80000046;
	[dreg:$0x1] =	wrdreg $0xFFFFFFFF  }
0xa7: {  	s28 =	simm.s32 $_size_execute0_lowered;
	s3 =	sadd.s32 s3, s5;
	[dreg:$0x0] =	wrdreg $0x0  }
0xa8: {  	s5 =	sshll.u32 s28, $0x1;
	[dreg:$0x2] =	wrdreg s3  }
0xa9: {  	[dreg:$0x3] =	wrdreg s5  }
0xaa: {  	[dreg:$0x4] =	wrdreg $0xC0  }
0xab: {  	_ =	task [dreg:s7], $0x5FFFF  }
0xac: {  	[dreg:$0x1] =	wrdreg $0xFFFFFFFF  }
0xad: {  	[dreg:$0x0] =	wrdreg $0x60  }
0xae: {  	[dreg:$0x2] =	wrdreg s24  }
0xaf: {  	[dreg:$0x3] =	wrdreg s2  }
0xb0: {  	[dreg:$0x4] =	wrdreg $0x9  }
0xb1: {  	_ =	task.clear_ibuf [dreg:s7], $0x5FFFF;
	_ =	strace $0x90000046  }
0xb2: {  	s29 =	simm.s32 $0x9;
	_ =	strace $0x80000048  }
0xb3: {  	_ =	swait.ge [sflag:s29], $0x1  }
0xb4: {  	[sflag:s29] =	ssyncadd.s32 $0xFFFFFFFF  }
0xb5: {  	_ =	strace $0x90000048  }
0xb6: {  	_ =	sfence  }
0xb7: {  	s30 =	sld [smem:$0x0];
	_ =	sdelay $0x2  }
0xb8: {  	s31 =	sshll.u32 s1, $0xD;
	s1 =	sshrl.u32 s1, $0x2  }
0xb9: {  	s3 =	sand.u32 $0x4000, s31;
	s1 =	sadd.s32 s1, s30  }
0xba: {  	s0 =	sor.u32 s3, s0;
	s1 =	sshll.u32 s1, $0x11  }
0xbb: {  	s0 =	sor.u32 s1, s0  }
0xbc: {  	s0 =	sadd.s32 $0x8F2B, s0  }
0xbd: {  	[sflag:s0] =	ssyncadd.remote.s32 $0x1  }
0xbe: {  	_ =	sfence.sel $0xFFFF  }
0xbf: {  	[dreg:$0x0] =	wrdreg $0xFFFFFFFF;
	(pc) =	sbr.abs _section_cstart, $3  }
0xc0: {  	[dreg:$0x1] =	wrdreg $0xFFFFFFFF  }
0xc1: {  	_ =	task.clear_ibuf [dreg:s7], $0x2FFFF;
	_ =	strace $0x9FFFFFFF  }
0xc2: {  	(tm) =	ssettm $0x7FFFFFFF  }
0xc3: {  	_ =	shalt  }
tec
execute0_lowered:
.L_overlay_start_1:
0x0: {  	(tag) =	ssettag $0x1  }
0x1: {  	v0 =	vlaneseq.u32;
	s0 =	rddreg [dreg:$0x0]  }
0x2: {  	s1 =	rddreg [dreg:$0x1];
	v1 =	vmul.u32 $0x20, v0;
	v3 =	vor.u32 $0x10, v0;
	v5 =	vor.u32 $0x20, v0  }
0x3: {  	s2 =	srdreg.scid;
	s4 =	stileid.u32;
	v7 =	vor.u32 $0x30, v0;
	v9 =	vor.u32 $0x40, v0;
	v11 =	vor.u32 $0x50, v0  }
0x4: {  	s3 =	simm.s32 $0x0;
	s11 =	simm.s32 $0x200;
	s12 =	simm.s32 $0x4000;
	v13 =	vor.u32 $0x60, v0;
	v15 =	vor.u32 $0x70, v0;
	v17 =	vor.u32 $0x400, v0  }
0x5: {  	s13 =	simm.s32 $0x5;
	s14 =	simm.s32 $0x3400;
	s15 =	simm.s32 $0x7400;
	v26 =	vor.u32 $0x800, v0;
	v35 =	vor.u32 $0xC00, v0;
	v2 =	vor.u32 $0x200, v1  }
0x6: {  	s16 =	simm.s32 $0x1;
	s17 =	simm.s32 $0xB400;
	s18 =	simm.s32 $0xC400;
	v4 =	vor.u32 $0x400, v1;
	v6 =	vor.u32 $0x600, v1;
	v8 =	vor.u32 $0x800, v1  }
0x7: {  	s19 =	simm.s32 $0xD400;
	s20 =	simm.s32 $0xE400;
	s21 =	simm.s32 $0x2;
	v10 =	vor.u32 $0xA00, v1;
	v12 =	vor.u32 $0xC00, v1;
	v14 =	vor.u32 $0xE00, v1  }
0x8: {  	s22 =	simm.s32 $0x4;
	s23 =	simm.s32 $0xF400;
	s24 =	simm.s32 $0x10400;
	v16 =	vor.u32 $0x1000, v1;
	v18 =	vor.u32 $0x1200, v1;
	v19 =	vor.u32 $0x1400, v1  }
0x9: {  	s25 =	simm.s32 $0x11400;
	s26 =	simm.s32 $0x12400;
	s28 =	simm.s32 $0x3;
	v20 =	vor.u32 $0x1600, v1;
	v21 =	vor.u32 $0x1800, v1;
	v22 =	vor.u32 $0x1A00, v1  }
0xa: {  	s29 =	simm.s32 $0x0;
	s2 =	sand.u32 $0x1, s2;
	s4 =	sshll.u32 s4, $0x1;
	v23 =	vor.u32 $0x1C00, v1;
	v24 =	vor.u32 $0x1E00, v1;
	v25 =	vor.u32 $0x2000, v1  }
0xb: {  	[smem:$0x7FF] =	sst s3;
	s8 =	sadd.s32 $0x8000, s1;
	s9 =	sadd.s32 $0xC000, s1;
	v27 =	vor.u32 $0x2200, v1;
	v28 =	vor.u32 $0x2400, v1;
	v29 =	vor.u32 $0x2600, v1  }
0xc: {  	s6 =	sor.u32 s2, s4;
	s2 =	ssub.s32 $0x2, s2;
	_ =	strace $0x80000047;
	v30 =	vor.u32 $0x2800, v1;
	v31 =	vor.u32 $0x2A00, v1;
	v32 =	vor.u32 $0x2C00, v1  }
0xd: {  	s4 =	sadd.s32 $0xD400, s0;
	s5 =	sshll.u32 s6, $0x6;
	s7 =	sshrl.u32 s2, $0x1;
	v33 =	vor.u32 $0x2E00, v1;
	v34 =	vor.u32 $0x3000, v1;
	v36 =	vor.u32 $0x3200, v1  }
0xe: {  	s6 =	sshll.u32 s6, $0xC;
	v37 =	vor.u32 $0x3400, v1;
	v38 =	vor.u32 $0x3600, v1;
	v39 =	vor.u32 $0x3800, v1;
	s0 =	sadd.s32 s5, s0;
	s2 =	ssub.s32 s2, s7  }
0xf: {  	v40 =	vor.u32 $0x3A00, v1;
	v41 =	vor.u32 $0x3C00, v1;
	v42 =	vor.u32 $0x3E00, v1;
	s7 =	sadd.s32 $0x4000, s1;
	s5 =	sadd.s32 $0x400, s0;
	s10 =	smax.u32 s2, $0x1  }
.LBB2_1:
0x10: {  	[tilespmem:s3], [sflag:$0x5] =	stream.strided.gather [hbm4b:s5+s11], $0x3400, s12, s11, $0x38;
	[tilespmem:$0x13400] =	vst v63  }
0x11: {  	_ =	swait.ge [sflag:s13], $0x3400  }
0x12: {  	[sflag:s13] =	ssyncset.done $0x0  }
0x13: {  	s30 =	simm.s32 $0x0;
	[sflag:s13] =	ssyncadd.s32 $0xFFFFCC00  }
0x14: {  	[tilespmem:s14], [sflag:$0x1] =	stream.indirect.gather [hbm4b:s4+s11], $0x20, s3, s11, $0xb8;
	[tilespmem:$0x13400] =	vst v63  }
.LBB2_2:
0x15: {  	s31 =	sshllo.u32 s30, $0x1  }
0x16: {  	s0 =	sshll.u32 s31, $0x9  }
0x17: {  	s0 =	sand.u32 $0x3FFFFE00, s0  }
0x18: {  	[tilespmem:s15], [sflag:$0x2] =	stream.indirect.gather [hbm4b:s4+s11], $0x20, s0, s11, $0xb8;
	[tilespmem:$0x13400] =	vst v63  }
0x19: {  	_ =	swait.ge [sflag:s16], $0x4000  }
0x1a: {  	p0 =	seq.s32 s30, $0x0;
	[sflag:s16] =	ssyncset.done $0x0  }
0x1b: {  	s0 =	simm.s32 @!p0 $0x3;
	[sflag:s16] =	ssyncadd.s32 $0xFFFFC000  }
0x1c: {  	_ =	swait.ge @!p0 [sflag:s0], $0x1000  }
0x1d: {  	[sflag:s0] =	ssyncset.done @!p0 $0x0  }
0x1e: {  	[sflag:s0] =	ssyncadd.s32 @!p0 $0xFFFFF000  }
0x1f: {  	_ =	swait.ge @!p0 [sflag:s0], $0x1000  }
0x20: {  	s2 =	simm.s32 $0x0;
	[sflag:s0] =	ssyncset.done @!p0 $0x0  }
0x21: {  	v44 =	vadd.s32 s2, v0;
	[sflag:s0] =	ssyncadd.s32 @!p0 $0xFFFFF000  }
0x22: {  	v43 =	vand.u32 $0x1F, v44;
	_ =	swait.ge @!p0 [sflag:s0], $0x1000  }
0x23: {  	v47 =	vor.u32 v1, v43;
	[sflag:s0] =	ssyncset.done @!p0 $0x0  }
0x24: {  	[sflag:s0] =	ssyncadd.s32 @!p0 $0xFFFFF000  }
0x25: {  	v45 =	vshll.u32 v44, $0x9;
	v46 =	vshll.u32 v44, $0x7;
	_ =	swait.ge @!p0 [sflag:s0], $0x1000  }
0x26: {  	v44 =	vand.u32 $0x3000, v45;
	v45 =	vand.u32 $0x380, v46;
	[sflag:s0] =	ssyncset.done @!p0 $0x0  }
0x27: {  	v46 =	vor.u32 v45, v44;
	[sflag:s0] =	ssyncadd.s32 @!p0 $0xFFFFF000  }
0x28: {  	v48 =	vor.u32 v0, v46;
	v47 =	vld.idx.msk [tilespmem:v47+s14+$0x0], $0xffff  }
0x29: {  	v49 =	vor.u32 v2, v43;
	_ =	sdelay $0x3  }
0x2a: {  	[tilespmem:v48+s17+$0x0] =	vst.idx.msk $0xffff, v47  }
0x2b: {  	v52 =	vor.u32 v3, v46;
	v47 =	vld.idx.msk [tilespmem:v49+s14+$0x0], $0xffff  }
0x2c: {  	v53 =	vor.u32 v4, v43;
	_ =	sdelay $0x3  }
0x2d: {  	[tilespmem:v52+s17+$0x0] =	vst.idx.msk $0xffff, v47  }
0x2e: {  	v54 =	vor.u32 v5, v46;
	v47 =	vld.idx.msk [tilespmem:v53+s14+$0x0], $0xffff  }
0x2f: {  	v55 =	vor.u32 v6, v43;
	_ =	sdelay $0x3  }
0x30: {  	[tilespmem:v54+s17+$0x0] =	vst.idx.msk $0xffff, v47  }
0x31: {  	v56 =	vor.u32 v7, v46;
	v47 =	vld.idx.msk [tilespmem:v55+s14+$0x0], $0xffff  }
0x32: {  	v57 =	vor.u32 v8, v43;
	_ =	sdelay $0x3  }
0x33: {  	[tilespmem:v56+s17+$0x0] =	vst.idx.msk $0xffff, v47  }
0x34: {  	v58 =	vor.u32 v9, v46;
	v47 =	vld.idx.msk [tilespmem:v57+s14+$0x0], $0xffff  }
0x35: {  	v59 =	vor.u32 v10, v43;
	_ =	sdelay $0x3  }
0x36: {  	[tilespmem:v58+s17+$0x0] =	vst.idx.msk $0xffff, v47  }
0x37: {  	v60 =	vor.u32 v11, v46;
	v47 =	vld.idx.msk [tilespmem:v59+s14+$0x0], $0xffff  }
0x38: {  	v61 =	vor.u32 v12, v43;
	_ =	sdelay $0x3  }
0x39: {  	[tilespmem:v60+s17+$0x0] =	vst.idx.msk $0xffff, v47  }
0x3a: {  	v62 =	vor.u32 v13, v46;
	v47 =	vld.idx.msk [tilespmem:v61+s14+$0x0], $0xffff  }
0x3b: {  	v63 =	vor.u32 v14, v43;
	_ =	sdelay $0x3  }
0x3c: {  	s0 =	simm.s32 $0x1;
	[tilespmem:v62+s17+$0x0] =	vst.idx.msk $0xffff, v47  }
0x3d: {  	s2 =	simm.s32 $0x2;
	v48 =	vadd.s32 s0, v0;
	v47 =	vld.idx.msk [tilespmem:v63+s14+$0x0], $0xffff  }
.LBB2_3:
0x3e: {  	p1 =	sne.s32 s2, $0x1F;
	v49 =	vand.u32 $0x1F, v48;
	v46 =	vor.u32 v15, v46  }
0x3f: {  	v50 =	vor.u32 v1, v49;
	_ =	sdelay $0x2  }
0x40: {  	v51 =	vshll.u32 v48, $0x9;
	v48 =	vshll.u32 v48, $0x7  }
0x41: {  	v51 =	vand.u32 $0x3000, v51;
	v48 =	vand.u32 $0x380, v48;
	[tilespmem:v46+s17+$0x0] =	vst.idx.msk $0xffff, v47  }
0x42: {  	v46 =	vor.u32 v48, v51;
	v47 =	vld.idx.msk [tilespmem:v50+s14+$0x0], $0xffff  }
0x43: {  	v48 =	vor.u32 v0, v46  }
0x44: {  	v50 =	vor.u32 v2, v49;
	_ =	sdelay $0x3  }
0x45: {  	[tilespmem:v48+s17+$0x0] =	vst.idx.msk $0xffff, v47  }
0x46: {  	v47 =	vld.idx.msk [tilespmem:v50+s14+$0x0], $0xffff  }
0x47: {  	v48 =	vor.u32 v3, v46  }
0x48: {  	v50 =	vor.u32 v4, v49;
	_ =	sdelay $0x3  }
0x49: {  	[tilespmem:v48+s17+$0x0] =	vst.idx.msk $0xffff, v47  }
0x4a: {  	v47 =	vld.idx.msk [tilespmem:v50+s14+$0x0], $0xffff  }
0x4b: {  	v48 =	vor.u32 v5, v46  }
0x4c: {  	v50 =	vor.u32 v6, v49;
	_ =	sdelay $0x3  }
0x4d: {  	[tilespmem:v48+s17+$0x0] =	vst.idx.msk $0xffff, v47  }
0x4e: {  	v47 =	vld.idx.msk [tilespmem:v50+s14+$0x0], $0xffff  }
0x4f: {  	v48 =	vor.u32 v7, v46  }
0x50: {  	v50 =	vor.u32 v8, v49;
	_ =	sdelay $0x3  }
0x51: {  	[tilespmem:v48+s17+$0x0] =	vst.idx.msk $0xffff, v47  }
0x52: {  	v47 =	vld.idx.msk [tilespmem:v50+s14+$0x0], $0xffff  }
0x53: {  	v48 =	vor.u32 v9, v46  }
0x54: {  	v50 =	vor.u32 v10, v49;
	_ =	sdelay $0x3  }
0x55: {  	[tilespmem:v48+s17+$0x0] =	vst.idx.msk $0xffff, v47  }
0x56: {  	v47 =	vld.idx.msk [tilespmem:v50+s14+$0x0], $0xffff  }
0x57: {  	v48 =	vor.u32 v11, v46  }
0x58: {  	v50 =	vor.u32 v12, v49;
	_ =	sdelay $0x3  }
0x59: {  	[tilespmem:v48+s17+$0x0] =	vst.idx.msk $0xffff, v47  }
0x5a: {  	v47 =	vld.idx.msk [tilespmem:v50+s14+$0x0], $0xffff  }
0x5b: {  	v48 =	vor.u32 v13, v46  }
0x5c: {  	v49 =	vor.u32 v14, v49  }
.Ltmp0:
0x5d: {  	(pc) =	sbr.rel @p1 .LBB2_3-.Ltmp0, $3  }
0x5e: {  	_ =	sdelay $0x1  }
0x5f: {  	[tilespmem:v48+s17+$0x0] =	vst.idx.msk $0xffff, v47  }
0x60: {  	v48 =	vadd.s32 s2, v0;
	s2 =	sadd.s32 $0x1, s2;
	v47 =	vld.idx.msk [tilespmem:v49+s14+$0x0], $0xffff  }
0x61: {  	v49 =	vand.u32 $0x1F, v48;
	v46 =	vor.u32 v15, v46  }
0x62: {  	v50 =	vor.u32 v1, v49;
	_ =	sdelay $0x1  }
0x63: {  	v51 =	vshll.u32 v48, $0x9;
	v62 =	vshll.u32 v48, $0x7  }
0x64: {  	v51 =	vand.u32 $0x3000, v51;
	v48 =	vand.u32 $0x380, v62  }
0x65: {  	[tilespmem:v46+s17+$0x0] =	vst.idx.msk $0xffff, v47;
	v46 =	vor.u32 v48, v51  }
0x66: {  	v47 =	vld.idx.msk [tilespmem:v50+s14+$0x0], $0xffff;
	v48 =	vor.u32 v0, v46  }
0x67: {  	v63 =	vor.u32 v2, v49;
	_ =	sdelay $0x3  }
0x68: {  	[tilespmem:v48+s17+$0x0] =	vst.idx.msk $0xffff, v47  }
0x69: {  	v52 =	vor.u32 v3, v46;
	v47 =	vld.idx.msk [tilespmem:v63+s14+$0x0], $0xffff  }
0x6a: {  	v53 =	vor.u32 v4, v49;
	_ =	sdelay $0x3  }
0x6b: {  	[tilespmem:v52+s17+$0x0] =	vst.idx.msk $0xffff, v47  }
0x6c: {  	v54 =	vor.u32 v5, v46;
	v47 =	vld.idx.msk [tilespmem:v53+s14+$0x0], $0xffff  }
0x6d: {  	v55 =	vor.u32 v6, v49;
	_ =	sdelay $0x3  }
0x6e: {  	[tilespmem:v54+s17+$0x0] =	vst.idx.msk $0xffff, v47  }
0x6f: {  	v56 =	vor.u32 v7, v46;
	v47 =	vld.idx.msk [tilespmem:v55+s14+$0x0], $0xffff  }
0x70: {  	v57 =	vor.u32 v8, v49;
	_ =	sdelay $0x3  }
0x71: {  	[tilespmem:v56+s17+$0x0] =	vst.idx.msk $0xffff, v47  }
0x72: {  	v58 =	vor.u32 v9, v46;
	v47 =	vld.idx.msk [tilespmem:v57+s14+$0x0], $0xffff  }
0x73: {  	v59 =	vor.u32 v10, v49;
	_ =	sdelay $0x3  }
0x74: {  	[tilespmem:v58+s17+$0x0] =	vst.idx.msk $0xffff, v47  }
0x75: {  	v60 =	vor.u32 v11, v46;
	v47 =	vld.idx.msk [tilespmem:v59+s14+$0x0], $0xffff  }
0x76: {  	v61 =	vor.u32 v12, v49;
	_ =	sdelay $0x3  }
0x77: {  	[tilespmem:v60+s17+$0x0] =	vst.idx.msk $0xffff, v47  }
0x78: {  	v62 =	vor.u32 v13, v46;
	v47 =	vld.idx.msk [tilespmem:v61+s14+$0x0], $0xffff  }
0x79: {  	v49 =	vor.u32 v14, v49;
	_ =	sdelay $0x3  }
0x7a: {  	[tilespmem:v62+s17+$0x0] =	vst.idx.msk $0xffff, v47  }
0x7b: {  	v46 =	vor.u32 v15, v46;
	v47 =	vld.idx.msk [tilespmem:v49+s14+$0x0], $0xffff  }
0x7c: {  	v63 =	vor.u32 v16, v43;
	_ =	sdelay $0x3  }
0x7d: {  	v44 =	vor.u32 v45, v44;
	[tilespmem:v46+s17+$0x0] =	vst.idx.msk $0xffff, v47  }
0x7e: {  	v50 =	vor.u32 v17, v44;
	v49 =	vld.idx.msk [tilespmem:v63+s14+$0x0], $0xffff  }
0x7f: {  	v51 =	vor.u32 v18, v43;
	_ =	sdelay $0x3  }
0x80: {  	v44 =	vor.u32 $0x400, v44;
	[tilespmem:v50+s17+$0x0] =	vst.idx.msk $0xffff, v49  }
0x81: {  	v52 =	vor.u32 v3, v44;
	v45 =	vld.idx.msk [tilespmem:v51+s14+$0x0], $0xffff  }
0x82: {  	v53 =	vor.u32 v19, v43;
	_ =	sdelay $0x3  }
0x83: {  	[tilespmem:v52+s17+$0x0] =	vst.idx.msk $0xffff, v45  }
0x84: {  	v54 =	vor.u32 v5, v44;
	v45 =	vld.idx.msk [tilespmem:v53+s14+$0x0], $0xffff  }
0x85: {  	v55 =	vor.u32 v20, v43;
	_ =	sdelay $0x3  }
0x86: {  	[tilespmem:v54+s17+$0x0] =	vst.idx.msk $0xffff, v45  }
0x87: {  	v56 =	vor.u32 v7, v44;
	v45 =	vld.idx.msk [tilespmem:v55+s14+$0x0], $0xffff  }
0x88: {  	v57 =	vor.u32 v21, v43;
	_ =	sdelay $0x3  }
0x89: {  	[tilespmem:v56+s17+$0x0] =	vst.idx.msk $0xffff, v45  }
0x8a: {  	v58 =	vor.u32 v9, v44;
	v45 =	vld.idx.msk [tilespmem:v57+s14+$0x0], $0xffff  }
0x8b: {  	v59 =	vor.u32 v22, v43;
	_ =	sdelay $0x3  }
0x8c: {  	[tilespmem:v58+s17+$0x0] =	vst.idx.msk $0xffff, v45  }
0x8d: {  	v60 =	vor.u32 v11, v44;
	v45 =	vld.idx.msk [tilespmem:v59+s14+$0x0], $0xffff  }
0x8e: {  	v61 =	vor.u32 v23, v43;
	_ =	sdelay $0x3  }
0x8f: {  	[tilespmem:v60+s17+$0x0] =	vst.idx.msk $0xffff, v45  }
0x90: {  	v62 =	vor.u32 v13, v44;
	v45 =	vld.idx.msk [tilespmem:v61+s14+$0x0], $0xffff  }
0x91: {  	v63 =	vor.u32 v24, v43;
	_ =	sdelay $0x3  }
0x92: {  	[tilespmem:v62+s17+$0x0] =	vst.idx.msk $0xffff, v45  }
0x93: {  	v45 =	vadd.s32 s0, v0;
	s0 =	simm.s32 $0x2;
	v43 =	vld.idx.msk [tilespmem:v63+s14+$0x0], $0xffff  }
.LBB2_5:
0x94: {  	p1 =	sne.s32 s0, $0x1F;
	v46 =	vand.u32 $0x1F, v45;
	v44 =	vor.u32 v15, v44  }
0x95: {  	v47 =	vor.u32 v16, v46;
	_ =	sdelay $0x2  }
0x96: {  	v48 =	vshll.u32 v45, $0x9;
	v45 =	vshll.u32 v45, $0x7  }
0x97: {  	v48 =	vand.u32 $0x3000, v48;
	v45 =	vand.u32 $0x380, v45;
	[tilespmem:v44+s17+$0x0] =	vst.idx.msk $0xffff, v43  }
0x98: {  	v44 =	vor.u32 v45, v48;
	v43 =	vld.idx.msk [tilespmem:v47+s14+$0x0], $0xffff  }
0x99: {  	v45 =	vor.u32 v17, v44  }
0x9a: {  	v47 =	vor.u32 v18, v46;
	_ =	sdelay $0x3  }
0x9b: {  	[tilespmem:v45+s17+$0x0] =	vst.idx.msk $0xffff, v43  }
0x9c: {  	v44 =	vor.u32 $0x400, v44;
	v43 =	vld.idx.msk [tilespmem:v47+s14+$0x0], $0xffff  }
0x9d: {  	v45 =	vor.u32 v3, v44  }
0x9e: {  	v47 =	vor.u32 v19, v46;
	_ =	sdelay $0x3  }
0x9f: {  	[tilespmem:v45+s17+$0x0] =	vst.idx.msk $0xffff, v43  }
0xa0: {  	v43 =	vld.idx.msk [tilespmem:v47+s14+$0x0], $0xffff  }
0xa1: {  	v45 =	vor.u32 v5, v44  }
0xa2: {  	v47 =	vor.u32 v20, v46;
	_ =	sdelay $0x3  }
0xa3: {  	[tilespmem:v45+s17+$0x0] =	vst.idx.msk $0xffff, v43  }
0xa4: {  	v43 =	vld.idx.msk [tilespmem:v47+s14+$0x0], $0xffff  }
0xa5: {  	v45 =	vor.u32 v7, v44  }
0xa6: {  	v47 =	vor.u32 v21, v46;
	_ =	sdelay $0x3  }
0xa7: {  	[tilespmem:v45+s17+$0x0] =	vst.idx.msk $0xffff, v43  }
0xa8: {  	v43 =	vld.idx.msk [tilespmem:v47+s14+$0x0], $0xffff  }
0xa9: {  	v45 =	vor.u32 v9, v44  }
0xaa: {  	v47 =	vor.u32 v22, v46;
	_ =	sdelay $0x3  }
0xab: {  	[tilespmem:v45+s17+$0x0] =	vst.idx.msk $0xffff, v43  }
0xac: {  	v43 =	vld.idx.msk [tilespmem:v47+s14+$0x0], $0xffff  }
0xad: {  	v45 =	vor.u32 v11, v44  }
0xae: {  	v47 =	vor.u32 v23, v46;
	_ =	sdelay $0x3  }
0xaf: {  	[tilespmem:v45+s17+$0x0] =	vst.idx.msk $0xffff, v43  }
0xb0: {  	v43 =	vld.idx.msk [tilespmem:v47+s14+$0x0], $0xffff  }
0xb1: {  	v45 =	vor.u32 v13, v44  }
0xb2: {  	v46 =	vor.u32 v24, v46  }
.Ltmp1:
0xb3: {  	(pc) =	sbr.rel @p1 .LBB2_5-.Ltmp1, $3  }
0xb4: {  	_ =	sdelay $0x1  }
0xb5: {  	[tilespmem:v45+s17+$0x0] =	vst.idx.msk $0xffff, v43  }
0xb6: {  	v45 =	vadd.s32 s0, v0;
	s0 =	sadd.s32 $0x1, s0;
	v43 =	vld.idx.msk [tilespmem:v46+s14+$0x0], $0xffff  }
0xb7: {  	v46 =	vand.u32 $0x1F, v45;
	v44 =	vor.u32 v15, v44  }
0xb8: {  	v47 =	vor.u32 v16, v46;
	_ =	sdelay $0x1  }
0xb9: {  	v48 =	vshll.u32 v45, $0x9;
	v62 =	vshll.u32 v45, $0x7  }
0xba: {  	v48 =	vand.u32 $0x3000, v48;
	v45 =	vand.u32 $0x380, v62  }
0xbb: {  	v63 =	vor.u32 v45, v48;
	[tilespmem:v44+s17+$0x0] =	vst.idx.msk $0xffff, v43  }
0xbc: {  	v45 =	vor.u32 v17, v63;
	v44 =	vld.idx.msk [tilespmem:v47+s14+$0x0], $0xffff  }
0xbd: {  	v48 =	vor.u32 v18, v46;
	_ =	sdelay $0x3  }
0xbe: {  	v43 =	vor.u32 $0x400, v63;
	[tilespmem:v45+s17+$0x0] =	vst.idx.msk $0xffff, v44  }
0xbf: {  	v49 =	vor.u32 v3, v43;
	v44 =	vld.idx.msk [tilespmem:v48+s14+$0x0], $0xffff  }
0xc0: {  	v50 =	vor.u32 v19, v46;
	_ =	sdelay $0x3  }
0xc1: {  	[tilespmem:v49+s17+$0x0] =	vst.idx.msk $0xffff, v44  }
0xc2: {  	v51 =	vor.u32 v5, v43;
	v44 =	vld.idx.msk [tilespmem:v50+s14+$0x0], $0xffff  }
0xc3: {  	v52 =	vor.u32 v20, v46;
	_ =	sdelay $0x3  }
0xc4: {  	[tilespmem:v51+s17+$0x0] =	vst.idx.msk $0xffff, v44  }
0xc5: {  	v53 =	vor.u32 v7, v43;
	v44 =	vld.idx.msk [tilespmem:v52+s14+$0x0], $0xffff  }
0xc6: {  	v54 =	vor.u32 v21, v46;
	_ =	sdelay $0x3  }
0xc7: {  	[tilespmem:v53+s17+$0x0] =	vst.idx.msk $0xffff, v44  }
0xc8: {  	v55 =	vor.u32 v9, v43;
	v44 =	vld.idx.msk [tilespmem:v54+s14+$0x0], $0xffff  }
0xc9: {  	v56 =	vor.u32 v22, v46;
	_ =	sdelay $0x3  }
0xca: {  	[tilespmem:v55+s17+$0x0] =	vst.idx.msk $0xffff, v44  }
0xcb: {  	v57 =	vor.u32 v11, v43;
	v44 =	vld.idx.msk [tilespmem:v56+s14+$0x0], $0xffff  }
0xcc: {  	v58 =	vor.u32 v23, v46;
	_ =	sdelay $0x3  }
0xcd: {  	[tilespmem:v57+s17+$0x0] =	vst.idx.msk $0xffff, v44  }
0xce: {  	v59 =	vor.u32 v13, v43;
	v44 =	vld.idx.msk [tilespmem:v58+s14+$0x0], $0xffff  }
0xcf: {  	v46 =	vor.u32 v24, v46;
	_ =	sdelay $0x2  }
0xd0: {  	s0 =	simm.s32 $0x0  }
0xd1: {  	v60 =	vadd.s32 s0, v0;
	[tilespmem:v59+s17+$0x0] =	vst.idx.msk $0xffff, v44  }
0xd2: {  	v61 =	vor.u32 v15, v43;
	v43 =	vand.u32 $0x1F, v60;
	v45 =	vld.idx.msk [tilespmem:v46+s14+$0x0], $0xffff  }
0xd3: {  	v62 =	vor.u32 v25, v43;
	_ =	sdelay $0x1  }
0xd4: {  	v63 =	vshll.u32 v60, $0x9;
	v44 =	vshll.u32 v60, $0x7  }
0xd5: {  	v48 =	vand.u32 $0x3000, v63;
	v44 =	vand.u32 $0x380, v44  }
0xd6: {  	v44 =	vor.u32 v44, v48;
	[tilespmem:v61+s17+$0x0] =	vst.idx.msk $0xffff, v45  }
0xd7: {  	v50 =	vor.u32 v26, v44;
	v45 =	vld.idx.msk [tilespmem:v62+s14+$0x0], $0xffff  }
0xd8: {  	v51 =	vor.u32 v27, v43;
	_ =	sdelay $0x3  }
0xd9: {  	[tilespmem:v50+s17+$0x0] =	vst.idx.msk $0xffff, v45;
	v45 =	vor.u32 $0x800, v44  }
0xda: {  	v46 =	vld.idx.msk [tilespmem:v51+s14+$0x0], $0xffff;
	v52 =	vor.u32 v3, v45  }
0xdb: {  	v53 =	vor.u32 v28, v43;
	_ =	sdelay $0x3  }
0xdc: {  	[tilespmem:v52+s17+$0x0] =	vst.idx.msk $0xffff, v46  }
0xdd: {  	v54 =	vor.u32 v5, v45;
	v46 =	vld.idx.msk [tilespmem:v53+s14+$0x0], $0xffff  }
0xde: {  	v55 =	vor.u32 v29, v43;
	_ =	sdelay $0x3  }
0xdf: {  	[tilespmem:v54+s17+$0x0] =	vst.idx.msk $0xffff, v46  }
0xe0: {  	v56 =	vor.u32 v7, v45;
	v46 =	vld.idx.msk [tilespmem:v55+s14+$0x0], $0xffff  }
0xe1: {  	v57 =	vor.u32 v30, v43;
	_ =	sdelay $0x3  }
0xe2: {  	[tilespmem:v56+s17+$0x0] =	vst.idx.msk $0xffff, v46  }
0xe3: {  	v58 =	vor.u32 v9, v45;
	v46 =	vld.idx.msk [tilespmem:v57+s14+$0x0], $0xffff  }
0xe4: {  	v59 =	vor.u32 v31, v43;
	_ =	sdelay $0x3  }
0xe5: {  	[tilespmem:v58+s17+$0x0] =	vst.idx.msk $0xffff, v46  }
0xe6: {  	v60 =	vor.u32 v11, v45;
	v46 =	vld.idx.msk [tilespmem:v59+s14+$0x0], $0xffff  }
0xe7: {  	v61 =	vor.u32 v32, v43;
	_ =	sdelay $0x3  }
0xe8: {  	[tilespmem:v60+s17+$0x0] =	vst.idx.msk $0xffff, v46  }
0xe9: {  	v62 =	vor.u32 v13, v45;
	v46 =	vld.idx.msk [tilespmem:v61+s14+$0x0], $0xffff  }
0xea: {  	v63 =	vor.u32 v33, v43;
	_ =	sdelay $0x3  }
0xeb: {  	s0 =	simm.s32 $0x1;
	[tilespmem:v62+s17+$0x0] =	vst.idx.msk $0xffff, v46  }
0xec: {  	s2 =	simm.s32 $0x2;
	v47 =	vadd.s32 s0, v0;
	v46 =	vld.idx.msk [tilespmem:v63+s14+$0x0], $0xffff  }
.LBB2_7:
0xed: {  	p1 =	sne.s32 s2, $0x1F;
	v48 =	vand.u32 $0x1F, v47;
	v45 =	vor.u32 v15, v45  }
0xee: {  	v49 =	vor.u32 v25, v48;
	_ =	sdelay $0x2  }
0xef: {  	v50 =	vshll.u32 v47, $0x9;
	v47 =	vshll.u32 v47, $0x7  }
0xf0: {  	v50 =	vand.u32 $0x3000, v50;
	v47 =	vand.u32 $0x380, v47;
	[tilespmem:v45+s17+$0x0] =	vst.idx.msk $0xffff, v46  }
0xf1: {  	v46 =	vor.u32 v47, v50;
	v45 =	vld.idx.msk [tilespmem:v49+s14+$0x0], $0xffff  }
0xf2: {  	v47 =	vor.u32 v26, v46  }
0xf3: {  	v49 =	vor.u32 v27, v48;
	_ =	sdelay $0x3  }
0xf4: {  	[tilespmem:v47+s17+$0x0] =	vst.idx.msk $0xffff, v45  }
0xf5: {  	v45 =	vor.u32 $0x800, v46;
	v46 =	vld.idx.msk [tilespmem:v49+s14+$0x0], $0xffff  }
0xf6: {  	v47 =	vor.u32 v3, v45  }
0xf7: {  	v49 =	vor.u32 v28, v48;
	_ =	sdelay $0x3  }
0xf8: {  	[tilespmem:v47+s17+$0x0] =	vst.idx.msk $0xffff, v46  }
0xf9: {  	v46 =	vld.idx.msk [tilespmem:v49+s14+$0x0], $0xffff  }
0xfa: {  	v47 =	vor.u32 v5, v45  }
0xfb: {  	v49 =	vor.u32 v29, v48;
	_ =	sdelay $0x3  }
0xfc: {  	[tilespmem:v47+s17+$0x0] =	vst.idx.msk $0xffff, v46  }
0xfd: {  	v46 =	vld.idx.msk [tilespmem:v49+s14+$0x0], $0xffff  }
0xfe: {  	v47 =	vor.u32 v7, v45  }
0xff: {  	v49 =	vor.u32 v30, v48;
	_ =	sdelay $0x3  }
0x100: {  	[tilespmem:v47+s17+$0x0] =	vst.idx.msk $0xffff, v46  }
0x101: {  	v46 =	vld.idx.msk [tilespmem:v49+s14+$0x0], $0xffff  }
0x102: {  	v47 =	vor.u32 v9, v45  }
0x103: {  	v49 =	vor.u32 v31, v48;
	_ =	sdelay $0x3  }
0x104: {  	[tilespmem:v47+s17+$0x0] =	vst.idx.msk $0xffff, v46  }
0x105: {  	v46 =	vld.idx.msk [tilespmem:v49+s14+$0x0], $0xffff  }
0x106: {  	v47 =	vor.u32 v11, v45  }
0x107: {  	v49 =	vor.u32 v32, v48;
	_ =	sdelay $0x3  }
0x108: {  	[tilespmem:v47+s17+$0x0] =	vst.idx.msk $0xffff, v46  }
0x109: {  	v46 =	vld.idx.msk [tilespmem:v49+s14+$0x0], $0xffff  }
0x10a: {  	v47 =	vor.u32 v13, v45  }
0x10b: {  	v48 =	vor.u32 v33, v48  }
.Ltmp2:
0x10c: {  	(pc) =	sbr.rel @p1 .LBB2_7-.Ltmp2, $3  }
0x10d: {  	_ =	sdelay $0x1  }
0x10e: {  	[tilespmem:v47+s17+$0x0] =	vst.idx.msk $0xffff, v46  }
0x10f: {  	v47 =	vadd.s32 s2, v0;
	s2 =	sadd.s32 $0x1, s2;
	v46 =	vld.idx.msk [tilespmem:v48+s14+$0x0], $0xffff  }
0x110: {  	v48 =	vand.u32 $0x1F, v47;
	v45 =	vor.u32 v15, v45  }
0x111: {  	v49 =	vor.u32 v25, v48;
	_ =	sdelay $0x1  }
0x112: {  	v50 =	vshll.u32 v47, $0x9;
	v62 =	vshll.u32 v47, $0x7  }
0x113: {  	v50 =	vand.u32 $0x3000, v50;
	v47 =	vand.u32 $0x380, v62  }
0x114: {  	v63 =	vor.u32 v47, v50;
	[tilespmem:v45+s17+$0x0] =	vst.idx.msk $0xffff, v46  }
0x115: {  	v47 =	vor.u32 v26, v63;
	v46 =	vld.idx.msk [tilespmem:v49+s14+$0x0], $0xffff  }
0x116: {  	v52 =	vor.u32 v27, v48;
	_ =	sdelay $0x3  }
0x117: {  	v45 =	vor.u32 $0x800, v63;
	[tilespmem:v47+s17+$0x0] =	vst.idx.msk $0xffff, v46  }
0x118: {  	v53 =	vor.u32 v3, v45;
	v46 =	vld.idx.msk [tilespmem:v52+s14+$0x0], $0xffff  }
0x119: {  	v54 =	vor.u32 v28, v48;
	_ =	sdelay $0x3  }
0x11a: {  	[tilespmem:v53+s17+$0x0] =	vst.idx.msk $0xffff, v46  }
0x11b: {  	v55 =	vor.u32 v5, v45;
	v46 =	vld.idx.msk [tilespmem:v54+s14+$0x0], $0xffff  }
0x11c: {  	v56 =	vor.u32 v29, v48;
	_ =	sdelay $0x3  }
0x11d: {  	[tilespmem:v55+s17+$0x0] =	vst.idx.msk $0xffff, v46  }
0x11e: {  	v57 =	vor.u32 v7, v45;
	v46 =	vld.idx.msk [tilespmem:v56+s14+$0x0], $0xffff  }
0x11f: {  	v58 =	vor.u32 v30, v48;
	_ =	sdelay $0x3  }
0x120: {  	[tilespmem:v57+s17+$0x0] =	vst.idx.msk $0xffff, v46  }
0x121: {  	v59 =	vor.u32 v9, v45;
	v46 =	vld.idx.msk [tilespmem:v58+s14+$0x0], $0xffff  }
0x122: {  	v60 =	vor.u32 v31, v48;
	_ =	sdelay $0x3  }
0x123: {  	[tilespmem:v59+s17+$0x0] =	vst.idx.msk $0xffff, v46  }
0x124: {  	v61 =	vor.u32 v11, v45;
	v46 =	vld.idx.msk [tilespmem:v60+s14+$0x0], $0xffff  }
0x125: {  	v62 =	vor.u32 v32, v48;
	_ =	sdelay $0x3  }
0x126: {  	[tilespmem:v61+s17+$0x0] =	vst.idx.msk $0xffff, v46  }
0x127: {  	v63 =	vor.u32 v13, v45;
	v46 =	vld.idx.msk [tilespmem:v62+s14+$0x0], $0xffff  }
0x128: {  	v48 =	vor.u32 v33, v48;
	_ =	sdelay $0x3  }
0x129: {  	[tilespmem:v63+s17+$0x0] =	vst.idx.msk $0xffff, v46  }
0x12a: {  	v45 =	vor.u32 v15, v45;
	v46 =	vld.idx.msk [tilespmem:v48+s14+$0x0], $0xffff  }
0x12b: {  	v49 =	vor.u32 v34, v43;
	_ =	sdelay $0x3  }
0x12c: {  	[tilespmem:v45+s17+$0x0] =	vst.idx.msk $0xffff, v46  }
0x12d: {  	v50 =	vor.u32 v35, v44;
	v45 =	vld.idx.msk [tilespmem:v49+s14+$0x0], $0xffff  }
0x12e: {  	v51 =	vor.u32 v36, v43;
	_ =	sdelay $0x3  }
0x12f: {  	v44 =	vor.u32 $0xC00, v44;
	[tilespmem:v50+s17+$0x0] =	vst.idx.msk $0xffff, v45  }
0x130: {  	v52 =	vor.u32 v3, v44;
	v45 =	vld.idx.msk [tilespmem:v51+s14+$0x0], $0xffff  }
0x131: {  	v53 =	vor.u32 v37, v43;
	_ =	sdelay $0x3  }
0x132: {  	[tilespmem:v52+s17+$0x0] =	vst.idx.msk $0xffff, v45  }
0x133: {  	v54 =	vor.u32 v5, v44;
	v45 =	vld.idx.msk [tilespmem:v53+s14+$0x0], $0xffff  }
0x134: {  	v55 =	vor.u32 v38, v43;
	_ =	sdelay $0x3  }
0x135: {  	[tilespmem:v54+s17+$0x0] =	vst.idx.msk $0xffff, v45  }
0x136: {  	v56 =	vor.u32 v7, v44;
	v45 =	vld.idx.msk [tilespmem:v55+s14+$0x0], $0xffff  }
0x137: {  	v57 =	vor.u32 v39, v43;
	_ =	sdelay $0x3  }
0x138: {  	[tilespmem:v56+s17+$0x0] =	vst.idx.msk $0xffff, v45  }
0x139: {  	v58 =	vor.u32 v9, v44;
	v45 =	vld.idx.msk [tilespmem:v57+s14+$0x0], $0xffff  }
0x13a: {  	v59 =	vor.u32 v40, v43;
	_ =	sdelay $0x3  }
0x13b: {  	[tilespmem:v58+s17+$0x0] =	vst.idx.msk $0xffff, v45  }
0x13c: {  	v60 =	vor.u32 v11, v44;
	v45 =	vld.idx.msk [tilespmem:v59+s14+$0x0], $0xffff  }
0x13d: {  	v61 =	vor.u32 v41, v43;
	_ =	sdelay $0x3  }
0x13e: {  	[tilespmem:v60+s17+$0x0] =	vst.idx.msk $0xffff, v45  }
0x13f: {  	v62 =	vor.u32 v13, v44;
	v45 =	vld.idx.msk [tilespmem:v61+s14+$0x0], $0xffff  }
0x140: {  	v63 =	vor.u32 v42, v43;
	_ =	sdelay $0x3  }
0x141: {  	[tilespmem:v62+s17+$0x0] =	vst.idx.msk $0xffff, v45  }
0x142: {  	v45 =	vadd.s32 s0, v0;
	s0 =	simm.s32 $0x2;
	v43 =	vld.idx.msk [tilespmem:v63+s14+$0x0], $0xffff  }
.LBB2_9:
0x143: {  	p1 =	sne.s32 s0, $0x1F;
	v46 =	vand.u32 $0x1F, v45;
	v44 =	vor.u32 v15, v44  }
0x144: {  	v47 =	vor.u32 v34, v46;
	_ =	sdelay $0x2  }
0x145: {  	v48 =	vshll.u32 v45, $0x9;
	v45 =	vshll.u32 v45, $0x7  }
0x146: {  	v48 =	vand.u32 $0x3000, v48;
	v45 =	vand.u32 $0x380, v45;
	[tilespmem:v44+s17+$0x0] =	vst.idx.msk $0xffff, v43  }
0x147: {  	v44 =	vor.u32 v45, v48;
	v43 =	vld.idx.msk [tilespmem:v47+s14+$0x0], $0xffff  }
0x148: {  	v45 =	vor.u32 v35, v44  }
0x149: {  	v47 =	vor.u32 v36, v46;
	_ =	sdelay $0x3  }
0x14a: {  	[tilespmem:v45+s17+$0x0] =	vst.idx.msk $0xffff, v43  }
0x14b: {  	v44 =	vor.u32 $0xC00, v44;
	v43 =	vld.idx.msk [tilespmem:v47+s14+$0x0], $0xffff  }
0x14c: {  	v45 =	vor.u32 v3, v44  }
0x14d: {  	v47 =	vor.u32 v37, v46;
	_ =	sdelay $0x3  }
0x14e: {  	[tilespmem:v45+s17+$0x0] =	vst.idx.msk $0xffff, v43  }
0x14f: {  	v43 =	vld.idx.msk [tilespmem:v47+s14+$0x0], $0xffff  }
0x150: {  	v45 =	vor.u32 v5, v44  }
0x151: {  	v47 =	vor.u32 v38, v46;
	_ =	sdelay $0x3  }
0x152: {  	[tilespmem:v45+s17+$0x0] =	vst.idx.msk $0xffff, v43  }
0x153: {  	v43 =	vld.idx.msk [tilespmem:v47+s14+$0x0], $0xffff  }
0x154: {  	v45 =	vor.u32 v7, v44  }
0x155: {  	v47 =	vor.u32 v39, v46;
	_ =	sdelay $0x3  }
0x156: {  	[tilespmem:v45+s17+$0x0] =	vst.idx.msk $0xffff, v43  }
0x157: {  	v43 =	vld.idx.msk [tilespmem:v47+s14+$0x0], $0xffff  }
0x158: {  	v45 =	vor.u32 v9, v44  }
0x159: {  	v47 =	vor.u32 v40, v46;
	_ =	sdelay $0x3  }
0x15a: {  	[tilespmem:v45+s17+$0x0] =	vst.idx.msk $0xffff, v43  }
0x15b: {  	v43 =	vld.idx.msk [tilespmem:v47+s14+$0x0], $0xffff  }
0x15c: {  	v45 =	vor.u32 v11, v44  }
0x15d: {  	v47 =	vor.u32 v41, v46;
	_ =	sdelay $0x3  }
0x15e: {  	[tilespmem:v45+s17+$0x0] =	vst.idx.msk $0xffff, v43  }
0x15f: {  	v43 =	vld.idx.msk [tilespmem:v47+s14+$0x0], $0xffff  }
0x160: {  	v45 =	vor.u32 v13, v44  }
0x161: {  	v46 =	vor.u32 v42, v46  }
.Ltmp3:
0x162: {  	(pc) =	sbr.rel @p1 .LBB2_9-.Ltmp3, $3  }
0x163: {  	_ =	sdelay $0x1  }
0x164: {  	[tilespmem:v45+s17+$0x0] =	vst.idx.msk $0xffff, v43  }
0x165: {  	v45 =	vadd.s32 s0, v0;
	s0 =	sadd.s32 $0x1, s0;
	v43 =	vld.idx.msk [tilespmem:v46+s14+$0x0], $0xffff  }
0x166: {  	v46 =	vand.u32 $0x1F, v45;
	v44 =	vor.u32 v15, v44  }
0x167: {  	v47 =	vor.u32 v34, v46;
	_ =	sdelay $0x1  }
0x168: {  	v48 =	vshll.u32 v45, $0x9;
	v63 =	vshll.u32 v45, $0x7  }
0x169: {  	v48 =	vand.u32 $0x3000, v48;
	v45 =	vand.u32 $0x380, v63  }
0x16a: {  	v51 =	vor.u32 v45, v48;
	[tilespmem:v44+s17+$0x0] =	vst.idx.msk $0xffff, v43  }
0x16b: {  	v45 =	vor.u32 v35, v51;
	v44 =	vld.idx.msk [tilespmem:v47+s14+$0x0], $0xffff  }
0x16c: {  	v52 =	vor.u32 v36, v46;
	_ =	sdelay $0x3  }
0x16d: {  	v43 =	vor.u32 $0xC00, v51;
	[tilespmem:v45+s17+$0x0] =	vst.idx.msk $0xffff, v44  }
0x16e: {  	v53 =	vor.u32 v3, v43;
	v44 =	vld.idx.msk [tilespmem:v52+s14+$0x0], $0xffff  }
0x16f: {  	v54 =	vor.u32 v37, v46;
	_ =	sdelay $0x3  }
0x170: {  	[tilespmem:v53+s17+$0x0] =	vst.idx.msk $0xffff, v44  }
0x171: {  	v55 =	vor.u32 v5, v43;
	v44 =	vld.idx.msk [tilespmem:v54+s14+$0x0], $0xffff  }
0x172: {  	v56 =	vor.u32 v38, v46;
	_ =	sdelay $0x3  }
0x173: {  	[tilespmem:v55+s17+$0x0] =	vst.idx.msk $0xffff, v44  }
0x174: {  	v57 =	vor.u32 v7, v43;
	v44 =	vld.idx.msk [tilespmem:v56+s14+$0x0], $0xffff  }
0x175: {  	v58 =	vor.u32 v39, v46;
	_ =	sdelay $0x3  }
0x176: {  	[tilespmem:v57+s17+$0x0] =	vst.idx.msk $0xffff, v44  }
0x177: {  	v59 =	vor.u32 v9, v43;
	v44 =	vld.idx.msk [tilespmem:v58+s14+$0x0], $0xffff  }
0x178: {  	v60 =	vor.u32 v40, v46;
	_ =	sdelay $0x3  }
0x179: {  	[tilespmem:v59+s17+$0x0] =	vst.idx.msk $0xffff, v44  }
0x17a: {  	v61 =	vor.u32 v11, v43;
	v44 =	vld.idx.msk [tilespmem:v60+s14+$0x0], $0xffff  }
0x17b: {  	v62 =	vor.u32 v41, v46;
	_ =	sdelay $0x3  }
0x17c: {  	[tilespmem:v61+s17+$0x0] =	vst.idx.msk $0xffff, v44  }
0x17d: {  	v63 =	vor.u32 v13, v43;
	v44 =	vld.idx.msk [tilespmem:v62+s14+$0x0], $0xffff  }
0x17e: {  	v46 =	vor.u32 v42, v46;
	_ =	sdelay $0x3  }
0x17f: {  	[tilespmem:v63+s17+$0x0] =	vst.idx.msk $0xffff, v44  }
0x180: {  	v43 =	vor.u32 v15, v43;
	v44 =	vld.idx.msk [tilespmem:v46+s14+$0x0], $0xffff;
	_ =	sdelay $0x1  }
0x181: {  	s0 =	sshll.u32 s30, $0x14  }
0x182: {  	s0 =	sor.u32 s6, s0  }
0x183: {  	s0 =	sshrl.u32 s0, $0x3  }
0x184: {  	s2 =	sadd.s32 s1, s0;
	[tilespmem:v43+s17+$0x0] =	vst.idx.msk $0xffff, v44  }
0x185: {  	[hbm4b:s2+s3] =	stream.linear.scatter [tilespmem:s17], [sflag:$0x3], $0x1000, $0x38;
	[tilespmem:$0x13400] =	vst v63  }
0x186: {  	p1 =	sne.s32 s30, $0xC;
	s2 =	sadd.s32 s0, s7  }
0x187: {  	[hbm4b:s2+s3] =	stream.linear.scatter [tilespmem:s18], [sflag:$0x3], $0x1000, $0x38;
	[tilespmem:$0x13400] =	vst v63  }
.Ltmp4:
0x188: {  	_ = 	snop;
	(pc) =	sbr.rel @p1 .LBB2_12-.Ltmp4, $4  }
0x189: {  	s2 =	sadd.s32 s0, s8  }
0x18a: {  	[hbm4b:s2+s3] =	stream.linear.scatter [tilespmem:s19], [sflag:$0x3], $0x1000, $0x38;
	[tilespmem:$0x13400] =	vst v63  }
0x18b: {  	s0 =	sadd.s32 s0, s9  }
0x18c: {  	[hbm4b:s0+s3] =	stream.linear.scatter [tilespmem:s20], [sflag:$0x3], $0x1000, $0x38;
	[tilespmem:$0x13400] =	vst v63  }
.Ltmp5:
0x18d: {  	(pc) =	sbr.rel .LBB2_13-.Ltmp5, $4  }
0x18e: {  	_ = 	snop  }
0x18f: {  	_ =	swait.ge [sflag:s21], $0x4000  }
0x190: {  	[sflag:s21] =	ssyncset.done $0x0  }
0x191: {  	[sflag:s21] =	ssyncadd.s32 $0xFFFFC000  }
.LBB2_12:
0x192: {  	s0 =	sshll.u32 s30, $0xA  }
0x193: {  	s0 =	sand.u32 $0x3FFFFC00, s0  }
.Ltmp6:
0x194: {  	s0 =	sadd.s32 $0x400, s0;
	(pc) =	sbr.rel @p0 .LBB2_14-.Ltmp6, $4  }
0x195: {  	[tilespmem:s14], [sflag:$0x1] =	stream.indirect.gather [hbm4b:s4+s11], $0x20, s0, s11, $0xb8;
	[tilespmem:$0x13400] =	vst v63  }
0x196: {  	_ =	swait.ge [sflag:s21], $0x4000  }
0x197: {  	[sflag:s21] =	ssyncset.done $0x0  }
0x198: {  	[sflag:s21] =	ssyncadd.s32 $0xFFFFC000  }
.LBB2_13:
0x199: {  	_ =	swait.ge [sflag:s22], $0x1000  }
0x19a: {  	[sflag:s22] =	ssyncset.done $0x0  }
0x19b: {  	[sflag:s22] =	ssyncadd.s32 $0xFFFFF000  }
0x19c: {  	_ =	swait.ge [sflag:s22], $0x1000  }
0x19d: {  	[sflag:s22] =	ssyncset.done $0x0  }
0x19e: {  	[sflag:s22] =	ssyncadd.s32 $0xFFFFF000  }
0x19f: {  	_ =	swait.ge [sflag:s22], $0x1000  }
0x1a0: {  	[sflag:s22] =	ssyncset.done $0x0  }
0x1a1: {  	[sflag:s22] =	ssyncadd.s32 $0xFFFFF000  }
0x1a2: {  	_ =	swait.ge [sflag:s22], $0x1000  }
0x1a3: {  	[sflag:s22] =	ssyncset.done $0x0  }
0x1a4: {  	[sflag:s22] =	ssyncadd.s32 $0xFFFFF000  }
.LBB2_14:
0x1a5: {  	s0 =	simm.s32 $0x0  }
0x1a6: {  	v44 =	vadd.s32 s0, v0  }
0x1a7: {  	v43 =	vand.u32 $0x1F, v44  }
0x1a8: {  	v47 =	vor.u32 v1, v43;
	_ =	sdelay $0x1  }
0x1a9: {  	v45 =	vshll.u32 v44, $0x9;
	v46 =	vshll.u32 v44, $0x7  }
0x1aa: {  	v44 =	vand.u32 $0x3000, v45;
	v45 =	vand.u32 $0x380, v46  }
0x1ab: {  	v46 =	vor.u32 v45, v44  }
0x1ac: {  	v48 =	vor.u32 v0, v46;
	v47 =	vld.idx.msk [tilespmem:v47+s15+$0x0], $0xffff  }
0x1ad: {  	v49 =	vor.u32 v2, v43;
	_ =	sdelay $0x3  }
0x1ae: {  	[tilespmem:v48+s23+$0x0] =	vst.idx.msk $0xffff, v47  }
0x1af: {  	v52 =	vor.u32 v3, v46;
	v47 =	vld.idx.msk [tilespmem:v49+s15+$0x0], $0xffff  }
0x1b0: {  	v53 =	vor.u32 v4, v43;
	_ =	sdelay $0x3  }
0x1b1: {  	[tilespmem:v52+s23+$0x0] =	vst.idx.msk $0xffff, v47  }
0x1b2: {  	v54 =	vor.u32 v5, v46;
	v47 =	vld.idx.msk [tilespmem:v53+s15+$0x0], $0xffff  }
0x1b3: {  	v55 =	vor.u32 v6, v43;
	_ =	sdelay $0x3  }
0x1b4: {  	[tilespmem:v54+s23+$0x0] =	vst.idx.msk $0xffff, v47  }
0x1b5: {  	v56 =	vor.u32 v7, v46;
	v47 =	vld.idx.msk [tilespmem:v55+s15+$0x0], $0xffff  }
0x1b6: {  	v57 =	vor.u32 v8, v43;
	_ =	sdelay $0x3  }
0x1b7: {  	[tilespmem:v56+s23+$0x0] =	vst.idx.msk $0xffff, v47  }
0x1b8: {  	v58 =	vor.u32 v9, v46;
	v47 =	vld.idx.msk [tilespmem:v57+s15+$0x0], $0xffff  }
0x1b9: {  	v59 =	vor.u32 v10, v43;
	_ =	sdelay $0x3  }
0x1ba: {  	[tilespmem:v58+s23+$0x0] =	vst.idx.msk $0xffff, v47  }
0x1bb: {  	v60 =	vor.u32 v11, v46;
	v47 =	vld.idx.msk [tilespmem:v59+s15+$0x0], $0xffff  }
0x1bc: {  	v61 =	vor.u32 v12, v43;
	_ =	sdelay $0x3  }
0x1bd: {  	[tilespmem:v60+s23+$0x0] =	vst.idx.msk $0xffff, v47  }
0x1be: {  	v62 =	vor.u32 v13, v46;
	v47 =	vld.idx.msk [tilespmem:v61+s15+$0x0], $0xffff  }
0x1bf: {  	v63 =	vor.u32 v14, v43;
	_ =	sdelay $0x3  }
0x1c0: {  	s0 =	simm.s32 $0x1;
	[tilespmem:v62+s23+$0x0] =	vst.idx.msk $0xffff, v47  }
0x1c1: {  	s2 =	simm.s32 $0x2;
	v48 =	vadd.s32 s0, v0;
	v47 =	vld.idx.msk [tilespmem:v63+s15+$0x0], $0xffff  }
.LBB2_15:
0x1c2: {  	p0 =	sne.s32 s2, $0x1F;
	v49 =	vand.u32 $0x1F, v48;
	v46 =	vor.u32 v15, v46  }
0x1c3: {  	v50 =	vor.u32 v1, v49;
	_ =	sdelay $0x2  }
0x1c4: {  	v51 =	vshll.u32 v48, $0x9;
	v48 =	vshll.u32 v48, $0x7  }
0x1c5: {  	v51 =	vand.u32 $0x3000, v51;
	v48 =	vand.u32 $0x380, v48;
	[tilespmem:v46+s23+$0x0] =	vst.idx.msk $0xffff, v47  }
0x1c6: {  	v46 =	vor.u32 v48, v51;
	v47 =	vld.idx.msk [tilespmem:v50+s15+$0x0], $0xffff  }
0x1c7: {  	v48 =	vor.u32 v0, v46  }
0x1c8: {  	v50 =	vor.u32 v2, v49;
	_ =	sdelay $0x3  }
0x1c9: {  	[tilespmem:v48+s23+$0x0] =	vst.idx.msk $0xffff, v47  }
0x1ca: {  	v47 =	vld.idx.msk [tilespmem:v50+s15+$0x0], $0xffff  }
0x1cb: {  	v48 =	vor.u32 v3, v46  }
0x1cc: {  	v50 =	vor.u32 v4, v49;
	_ =	sdelay $0x3  }
0x1cd: {  	[tilespmem:v48+s23+$0x0] =	vst.idx.msk $0xffff, v47  }
0x1ce: {  	v47 =	vld.idx.msk [tilespmem:v50+s15+$0x0], $0xffff  }
0x1cf: {  	v48 =	vor.u32 v5, v46  }
0x1d0: {  	v50 =	vor.u32 v6, v49;
	_ =	sdelay $0x3  }
0x1d1: {  	[tilespmem:v48+s23+$0x0] =	vst.idx.msk $0xffff, v47  }
0x1d2: {  	v47 =	vld.idx.msk [tilespmem:v50+s15+$0x0], $0xffff  }
0x1d3: {  	v48 =	vor.u32 v7, v46  }
0x1d4: {  	v50 =	vor.u32 v8, v49;
	_ =	sdelay $0x3  }
0x1d5: {  	[tilespmem:v48+s23+$0x0] =	vst.idx.msk $0xffff, v47  }
0x1d6: {  	v47 =	vld.idx.msk [tilespmem:v50+s15+$0x0], $0xffff  }
0x1d7: {  	v48 =	vor.u32 v9, v46  }
0x1d8: {  	v50 =	vor.u32 v10, v49;
	_ =	sdelay $0x3  }
0x1d9: {  	[tilespmem:v48+s23+$0x0] =	vst.idx.msk $0xffff, v47  }
0x1da: {  	v47 =	vld.idx.msk [tilespmem:v50+s15+$0x0], $0xffff  }
0x1db: {  	v48 =	vor.u32 v11, v46  }
0x1dc: {  	v50 =	vor.u32 v12, v49;
	_ =	sdelay $0x3  }
0x1dd: {  	[tilespmem:v48+s23+$0x0] =	vst.idx.msk $0xffff, v47  }
0x1de: {  	v47 =	vld.idx.msk [tilespmem:v50+s15+$0x0], $0xffff  }
0x1df: {  	v48 =	vor.u32 v13, v46  }
0x1e0: {  	v49 =	vor.u32 v14, v49  }
.Ltmp7:
0x1e1: {  	(pc) =	sbr.rel @p0 .LBB2_15-.Ltmp7, $3  }
0x1e2: {  	_ =	sdelay $0x1  }
0x1e3: {  	[tilespmem:v48+s23+$0x0] =	vst.idx.msk $0xffff, v47  }
0x1e4: {  	v48 =	vadd.s32 s2, v0;
	s2 =	sadd.s32 $0x1, s2;
	v47 =	vld.idx.msk [tilespmem:v49+s15+$0x0], $0xffff  }
0x1e5: {  	v49 =	vand.u32 $0x1F, v48;
	v46 =	vor.u32 v15, v46  }
0x1e6: {  	v50 =	vor.u32 v1, v49;
	_ =	sdelay $0x1  }
0x1e7: {  	v51 =	vshll.u32 v48, $0x9;
	v62 =	vshll.u32 v48, $0x7  }
0x1e8: {  	v51 =	vand.u32 $0x3000, v51;
	v48 =	vand.u32 $0x380, v62  }
0x1e9: {  	[tilespmem:v46+s23+$0x0] =	vst.idx.msk $0xffff, v47;
	v46 =	vor.u32 v48, v51  }
0x1ea: {  	v47 =	vld.idx.msk [tilespmem:v50+s15+$0x0], $0xffff;
	v48 =	vor.u32 v0, v46  }
0x1eb: {  	v63 =	vor.u32 v2, v49;
	_ =	sdelay $0x3  }
0x1ec: {  	[tilespmem:v48+s23+$0x0] =	vst.idx.msk $0xffff, v47  }
0x1ed: {  	v52 =	vor.u32 v3, v46;
	v47 =	vld.idx.msk [tilespmem:v63+s15+$0x0], $0xffff  }
0x1ee: {  	v53 =	vor.u32 v4, v49;
	_ =	sdelay $0x3  }
0x1ef: {  	[tilespmem:v52+s23+$0x0] =	vst.idx.msk $0xffff, v47  }
0x1f0: {  	v54 =	vor.u32 v5, v46;
	v47 =	vld.idx.msk [tilespmem:v53+s15+$0x0], $0xffff  }
0x1f1: {  	v55 =	vor.u32 v6, v49;
	_ =	sdelay $0x3  }
0x1f2: {  	[tilespmem:v54+s23+$0x0] =	vst.idx.msk $0xffff, v47  }
0x1f3: {  	v56 =	vor.u32 v7, v46;
	v47 =	vld.idx.msk [tilespmem:v55+s15+$0x0], $0xffff  }
0x1f4: {  	v57 =	vor.u32 v8, v49;
	_ =	sdelay $0x3  }
0x1f5: {  	[tilespmem:v56+s23+$0x0] =	vst.idx.msk $0xffff, v47  }
0x1f6: {  	v58 =	vor.u32 v9, v46;
	v47 =	vld.idx.msk [tilespmem:v57+s15+$0x0], $0xffff  }
0x1f7: {  	v59 =	vor.u32 v10, v49;
	_ =	sdelay $0x3  }
0x1f8: {  	[tilespmem:v58+s23+$0x0] =	vst.idx.msk $0xffff, v47  }
0x1f9: {  	v60 =	vor.u32 v11, v46;
	v47 =	vld.idx.msk [tilespmem:v59+s15+$0x0], $0xffff  }
0x1fa: {  	v61 =	vor.u32 v12, v49;
	_ =	sdelay $0x3  }
0x1fb: {  	[tilespmem:v60+s23+$0x0] =	vst.idx.msk $0xffff, v47  }
0x1fc: {  	v62 =	vor.u32 v13, v46;
	v47 =	vld.idx.msk [tilespmem:v61+s15+$0x0], $0xffff  }
0x1fd: {  	v49 =	vor.u32 v14, v49;
	_ =	sdelay $0x3  }
0x1fe: {  	[tilespmem:v62+s23+$0x0] =	vst.idx.msk $0xffff, v47  }
0x1ff: {  	v46 =	vor.u32 v15, v46;
	v47 =	vld.idx.msk [tilespmem:v49+s15+$0x0], $0xffff  }
0x200: {  	v63 =	vor.u32 v16, v43;
	_ =	sdelay $0x3  }
0x201: {  	v44 =	vor.u32 v45, v44;
	[tilespmem:v46+s23+$0x0] =	vst.idx.msk $0xffff, v47  }
0x202: {  	v50 =	vor.u32 v17, v44;
	v49 =	vld.idx.msk [tilespmem:v63+s15+$0x0], $0xffff  }
0x203: {  	v51 =	vor.u32 v18, v43;
	_ =	sdelay $0x3  }
0x204: {  	v44 =	vor.u32 $0x400, v44;
	[tilespmem:v50+s23+$0x0] =	vst.idx.msk $0xffff, v49  }
0x205: {  	v52 =	vor.u32 v3, v44;
	v45 =	vld.idx.msk [tilespmem:v51+s15+$0x0], $0xffff  }
0x206: {  	v53 =	vor.u32 v19, v43;
	_ =	sdelay $0x3  }
0x207: {  	[tilespmem:v52+s23+$0x0] =	vst.idx.msk $0xffff, v45  }
0x208: {  	v54 =	vor.u32 v5, v44;
	v45 =	vld.idx.msk [tilespmem:v53+s15+$0x0], $0xffff  }
0x209: {  	v55 =	vor.u32 v20, v43;
	_ =	sdelay $0x3  }
0x20a: {  	[tilespmem:v54+s23+$0x0] =	vst.idx.msk $0xffff, v45  }
0x20b: {  	v56 =	vor.u32 v7, v44;
	v45 =	vld.idx.msk [tilespmem:v55+s15+$0x0], $0xffff  }
0x20c: {  	v57 =	vor.u32 v21, v43;
	_ =	sdelay $0x3  }
0x20d: {  	[tilespmem:v56+s23+$0x0] =	vst.idx.msk $0xffff, v45  }
0x20e: {  	v58 =	vor.u32 v9, v44;
	v45 =	vld.idx.msk [tilespmem:v57+s15+$0x0], $0xffff  }
0x20f: {  	v59 =	vor.u32 v22, v43;
	_ =	sdelay $0x3  }
0x210: {  	[tilespmem:v58+s23+$0x0] =	vst.idx.msk $0xffff, v45  }
0x211: {  	v60 =	vor.u32 v11, v44;
	v45 =	vld.idx.msk [tilespmem:v59+s15+$0x0], $0xffff  }
0x212: {  	v61 =	vor.u32 v23, v43;
	_ =	sdelay $0x3  }
0x213: {  	[tilespmem:v60+s23+$0x0] =	vst.idx.msk $0xffff, v45  }
0x214: {  	v62 =	vor.u32 v13, v44;
	v45 =	vld.idx.msk [tilespmem:v61+s15+$0x0], $0xffff  }
0x215: {  	v63 =	vor.u32 v24, v43;
	_ =	sdelay $0x3  }
0x216: {  	[tilespmem:v62+s23+$0x0] =	vst.idx.msk $0xffff, v45  }
0x217: {  	v45 =	vadd.s32 s0, v0;
	s0 =	simm.s32 $0x2;
	v43 =	vld.idx.msk [tilespmem:v63+s15+$0x0], $0xffff  }
.LBB2_17:
0x218: {  	p0 =	sne.s32 s0, $0x1F;
	v46 =	vand.u32 $0x1F, v45;
	v44 =	vor.u32 v15, v44  }
0x219: {  	v47 =	vor.u32 v16, v46;
	_ =	sdelay $0x2  }
0x21a: {  	v48 =	vshll.u32 v45, $0x9;
	v45 =	vshll.u32 v45, $0x7  }
0x21b: {  	v48 =	vand.u32 $0x3000, v48;
	v45 =	vand.u32 $0x380, v45;
	[tilespmem:v44+s23+$0x0] =	vst.idx.msk $0xffff, v43  }
0x21c: {  	v44 =	vor.u32 v45, v48;
	v43 =	vld.idx.msk [tilespmem:v47+s15+$0x0], $0xffff  }
0x21d: {  	v45 =	vor.u32 v17, v44  }
0x21e: {  	v47 =	vor.u32 v18, v46;
	_ =	sdelay $0x3  }
0x21f: {  	[tilespmem:v45+s23+$0x0] =	vst.idx.msk $0xffff, v43  }
0x220: {  	v44 =	vor.u32 $0x400, v44;
	v43 =	vld.idx.msk [tilespmem:v47+s15+$0x0], $0xffff  }
0x221: {  	v45 =	vor.u32 v3, v44  }
0x222: {  	v47 =	vor.u32 v19, v46;
	_ =	sdelay $0x3  }
0x223: {  	[tilespmem:v45+s23+$0x0] =	vst.idx.msk $0xffff, v43  }
0x224: {  	v43 =	vld.idx.msk [tilespmem:v47+s15+$0x0], $0xffff  }
0x225: {  	v45 =	vor.u32 v5, v44  }
0x226: {  	v47 =	vor.u32 v20, v46;
	_ =	sdelay $0x3  }
0x227: {  	[tilespmem:v45+s23+$0x0] =	vst.idx.msk $0xffff, v43  }
0x228: {  	v43 =	vld.idx.msk [tilespmem:v47+s15+$0x0], $0xffff  }
0x229: {  	v45 =	vor.u32 v7, v44  }
0x22a: {  	v47 =	vor.u32 v21, v46;
	_ =	sdelay $0x3  }
0x22b: {  	[tilespmem:v45+s23+$0x0] =	vst.idx.msk $0xffff, v43  }
0x22c: {  	v43 =	vld.idx.msk [tilespmem:v47+s15+$0x0], $0xffff  }
0x22d: {  	v45 =	vor.u32 v9, v44  }
0x22e: {  	v47 =	vor.u32 v22, v46;
	_ =	sdelay $0x3  }
0x22f: {  	[tilespmem:v45+s23+$0x0] =	vst.idx.msk $0xffff, v43  }
0x230: {  	v43 =	vld.idx.msk [tilespmem:v47+s15+$0x0], $0xffff  }
0x231: {  	v45 =	vor.u32 v11, v44  }
0x232: {  	v47 =	vor.u32 v23, v46;
	_ =	sdelay $0x3  }
0x233: {  	[tilespmem:v45+s23+$0x0] =	vst.idx.msk $0xffff, v43  }
0x234: {  	v43 =	vld.idx.msk [tilespmem:v47+s15+$0x0], $0xffff  }
0x235: {  	v45 =	vor.u32 v13, v44  }
0x236: {  	v46 =	vor.u32 v24, v46  }
.Ltmp8:
0x237: {  	(pc) =	sbr.rel @p0 .LBB2_17-.Ltmp8, $3  }
0x238: {  	_ =	sdelay $0x1  }
0x239: {  	[tilespmem:v45+s23+$0x0] =	vst.idx.msk $0xffff, v43  }
0x23a: {  	v45 =	vadd.s32 s0, v0;
	s0 =	sadd.s32 $0x1, s0;
	v43 =	vld.idx.msk [tilespmem:v46+s15+$0x0], $0xffff  }
0x23b: {  	v46 =	vand.u32 $0x1F, v45;
	v44 =	vor.u32 v15, v44  }
0x23c: {  	v47 =	vor.u32 v16, v46;
	_ =	sdelay $0x1  }
0x23d: {  	v48 =	vshll.u32 v45, $0x9;
	v62 =	vshll.u32 v45, $0x7  }
0x23e: {  	v48 =	vand.u32 $0x3000, v48;
	v45 =	vand.u32 $0x380, v62  }
0x23f: {  	v63 =	vor.u32 v45, v48;
	[tilespmem:v44+s23+$0x0] =	vst.idx.msk $0xffff, v43  }
0x240: {  	v45 =	vor.u32 v17, v63;
	v44 =	vld.idx.msk [tilespmem:v47+s15+$0x0], $0xffff  }
0x241: {  	v48 =	vor.u32 v18, v46;
	_ =	sdelay $0x3  }
0x242: {  	v43 =	vor.u32 $0x400, v63;
	[tilespmem:v45+s23+$0x0] =	vst.idx.msk $0xffff, v44  }
0x243: {  	v49 =	vor.u32 v3, v43;
	v44 =	vld.idx.msk [tilespmem:v48+s15+$0x0], $0xffff  }
0x244: {  	v50 =	vor.u32 v19, v46;
	_ =	sdelay $0x3  }
0x245: {  	[tilespmem:v49+s23+$0x0] =	vst.idx.msk $0xffff, v44  }
0x246: {  	v51 =	vor.u32 v5, v43;
	v44 =	vld.idx.msk [tilespmem:v50+s15+$0x0], $0xffff  }
0x247: {  	v52 =	vor.u32 v20, v46;
	_ =	sdelay $0x3  }
0x248: {  	[tilespmem:v51+s23+$0x0] =	vst.idx.msk $0xffff, v44  }
0x249: {  	v53 =	vor.u32 v7, v43;
	v44 =	vld.idx.msk [tilespmem:v52+s15+$0x0], $0xffff  }
0x24a: {  	v54 =	vor.u32 v21, v46;
	_ =	sdelay $0x3  }
0x24b: {  	[tilespmem:v53+s23+$0x0] =	vst.idx.msk $0xffff, v44  }
0x24c: {  	v55 =	vor.u32 v9, v43;
	v44 =	vld.idx.msk [tilespmem:v54+s15+$0x0], $0xffff  }
0x24d: {  	v56 =	vor.u32 v22, v46;
	_ =	sdelay $0x3  }
0x24e: {  	[tilespmem:v55+s23+$0x0] =	vst.idx.msk $0xffff, v44  }
0x24f: {  	v57 =	vor.u32 v11, v43;
	v44 =	vld.idx.msk [tilespmem:v56+s15+$0x0], $0xffff  }
0x250: {  	v58 =	vor.u32 v23, v46;
	_ =	sdelay $0x3  }
0x251: {  	[tilespmem:v57+s23+$0x0] =	vst.idx.msk $0xffff, v44  }
0x252: {  	v59 =	vor.u32 v13, v43;
	v44 =	vld.idx.msk [tilespmem:v58+s15+$0x0], $0xffff  }
0x253: {  	v46 =	vor.u32 v24, v46;
	_ =	sdelay $0x2  }
0x254: {  	s0 =	simm.s32 $0x0  }
0x255: {  	v60 =	vadd.s32 s0, v0;
	[tilespmem:v59+s23+$0x0] =	vst.idx.msk $0xffff, v44  }
0x256: {  	v61 =	vor.u32 v15, v43;
	v43 =	vand.u32 $0x1F, v60;
	v45 =	vld.idx.msk [tilespmem:v46+s15+$0x0], $0xffff  }
0x257: {  	v62 =	vor.u32 v25, v43;
	_ =	sdelay $0x1  }
0x258: {  	v63 =	vshll.u32 v60, $0x9;
	v44 =	vshll.u32 v60, $0x7  }
0x259: {  	v48 =	vand.u32 $0x3000, v63;
	v44 =	vand.u32 $0x380, v44  }
0x25a: {  	v44 =	vor.u32 v44, v48;
	[tilespmem:v61+s23+$0x0] =	vst.idx.msk $0xffff, v45  }
0x25b: {  	v50 =	vor.u32 v26, v44;
	v45 =	vld.idx.msk [tilespmem:v62+s15+$0x0], $0xffff  }
0x25c: {  	v51 =	vor.u32 v27, v43;
	_ =	sdelay $0x3  }
0x25d: {  	[tilespmem:v50+s23+$0x0] =	vst.idx.msk $0xffff, v45;
	v45 =	vor.u32 $0x800, v44  }
0x25e: {  	v46 =	vld.idx.msk [tilespmem:v51+s15+$0x0], $0xffff;
	v52 =	vor.u32 v3, v45  }
0x25f: {  	v53 =	vor.u32 v28, v43;
	_ =	sdelay $0x3  }
0x260: {  	[tilespmem:v52+s23+$0x0] =	vst.idx.msk $0xffff, v46  }
0x261: {  	v54 =	vor.u32 v5, v45;
	v46 =	vld.idx.msk [tilespmem:v53+s15+$0x0], $0xffff  }
0x262: {  	v55 =	vor.u32 v29, v43;
	_ =	sdelay $0x3  }
0x263: {  	[tilespmem:v54+s23+$0x0] =	vst.idx.msk $0xffff, v46  }
0x264: {  	v56 =	vor.u32 v7, v45;
	v46 =	vld.idx.msk [tilespmem:v55+s15+$0x0], $0xffff  }
0x265: {  	v57 =	vor.u32 v30, v43;
	_ =	sdelay $0x3  }
0x266: {  	[tilespmem:v56+s23+$0x0] =	vst.idx.msk $0xffff, v46  }
0x267: {  	v58 =	vor.u32 v9, v45;
	v46 =	vld.idx.msk [tilespmem:v57+s15+$0x0], $0xffff  }
0x268: {  	v59 =	vor.u32 v31, v43;
	_ =	sdelay $0x3  }
0x269: {  	[tilespmem:v58+s23+$0x0] =	vst.idx.msk $0xffff, v46  }
0x26a: {  	v60 =	vor.u32 v11, v45;
	v46 =	vld.idx.msk [tilespmem:v59+s15+$0x0], $0xffff  }
0x26b: {  	v61 =	vor.u32 v32, v43;
	_ =	sdelay $0x3  }
0x26c: {  	[tilespmem:v60+s23+$0x0] =	vst.idx.msk $0xffff, v46  }
0x26d: {  	v62 =	vor.u32 v13, v45;
	v46 =	vld.idx.msk [tilespmem:v61+s15+$0x0], $0xffff  }
0x26e: {  	v63 =	vor.u32 v33, v43;
	_ =	sdelay $0x3  }
0x26f: {  	s0 =	simm.s32 $0x1;
	[tilespmem:v62+s23+$0x0] =	vst.idx.msk $0xffff, v46  }
0x270: {  	s2 =	simm.s32 $0x2;
	v47 =	vadd.s32 s0, v0;
	v46 =	vld.idx.msk [tilespmem:v63+s15+$0x0], $0xffff  }
.LBB2_19:
0x271: {  	p0 =	sne.s32 s2, $0x1F;
	v48 =	vand.u32 $0x1F, v47;
	v45 =	vor.u32 v15, v45  }
0x272: {  	v49 =	vor.u32 v25, v48;
	_ =	sdelay $0x2  }
0x273: {  	v50 =	vshll.u32 v47, $0x9;
	v47 =	vshll.u32 v47, $0x7  }
0x274: {  	v50 =	vand.u32 $0x3000, v50;
	v47 =	vand.u32 $0x380, v47;
	[tilespmem:v45+s23+$0x0] =	vst.idx.msk $0xffff, v46  }
0x275: {  	v46 =	vor.u32 v47, v50;
	v45 =	vld.idx.msk [tilespmem:v49+s15+$0x0], $0xffff  }
0x276: {  	v47 =	vor.u32 v26, v46  }
0x277: {  	v49 =	vor.u32 v27, v48;
	_ =	sdelay $0x3  }
0x278: {  	[tilespmem:v47+s23+$0x0] =	vst.idx.msk $0xffff, v45  }
0x279: {  	v45 =	vor.u32 $0x800, v46;
	v46 =	vld.idx.msk [tilespmem:v49+s15+$0x0], $0xffff  }
0x27a: {  	v47 =	vor.u32 v3, v45  }
0x27b: {  	v49 =	vor.u32 v28, v48;
	_ =	sdelay $0x3  }
0x27c: {  	[tilespmem:v47+s23+$0x0] =	vst.idx.msk $0xffff, v46  }
0x27d: {  	v46 =	vld.idx.msk [tilespmem:v49+s15+$0x0], $0xffff  }
0x27e: {  	v47 =	vor.u32 v5, v45  }
0x27f: {  	v49 =	vor.u32 v29, v48;
	_ =	sdelay $0x3  }
0x280: {  	[tilespmem:v47+s23+$0x0] =	vst.idx.msk $0xffff, v46  }
0x281: {  	v46 =	vld.idx.msk [tilespmem:v49+s15+$0x0], $0xffff  }
0x282: {  	v47 =	vor.u32 v7, v45  }
0x283: {  	v49 =	vor.u32 v30, v48;
	_ =	sdelay $0x3  }
0x284: {  	[tilespmem:v47+s23+$0x0] =	vst.idx.msk $0xffff, v46  }
0x285: {  	v46 =	vld.idx.msk [tilespmem:v49+s15+$0x0], $0xffff  }
0x286: {  	v47 =	vor.u32 v9, v45  }
0x287: {  	v49 =	vor.u32 v31, v48;
	_ =	sdelay $0x3  }
0x288: {  	[tilespmem:v47+s23+$0x0] =	vst.idx.msk $0xffff, v46  }
0x289: {  	v46 =	vld.idx.msk [tilespmem:v49+s15+$0x0], $0xffff  }
0x28a: {  	v47 =	vor.u32 v11, v45  }
0x28b: {  	v49 =	vor.u32 v32, v48;
	_ =	sdelay $0x3  }
0x28c: {  	[tilespmem:v47+s23+$0x0] =	vst.idx.msk $0xffff, v46  }
0x28d: {  	v46 =	vld.idx.msk [tilespmem:v49+s15+$0x0], $0xffff  }
0x28e: {  	v47 =	vor.u32 v13, v45  }
0x28f: {  	v48 =	vor.u32 v33, v48  }
.Ltmp9:
0x290: {  	(pc) =	sbr.rel @p0 .LBB2_19-.Ltmp9, $3  }
0x291: {  	_ =	sdelay $0x1  }
0x292: {  	[tilespmem:v47+s23+$0x0] =	vst.idx.msk $0xffff, v46  }
0x293: {  	v47 =	vadd.s32 s2, v0;
	s2 =	sadd.s32 $0x1, s2;
	v46 =	vld.idx.msk [tilespmem:v48+s15+$0x0], $0xffff  }
0x294: {  	v48 =	vand.u32 $0x1F, v47;
	v45 =	vor.u32 v15, v45  }
0x295: {  	v49 =	vor.u32 v25, v48;
	_ =	sdelay $0x1  }
0x296: {  	v50 =	vshll.u32 v47, $0x9;
	v62 =	vshll.u32 v47, $0x7  }
0x297: {  	v50 =	vand.u32 $0x3000, v50;
	v47 =	vand.u32 $0x380, v62  }
0x298: {  	v63 =	vor.u32 v47, v50;
	[tilespmem:v45+s23+$0x0] =	vst.idx.msk $0xffff, v46  }
0x299: {  	v47 =	vor.u32 v26, v63;
	v46 =	vld.idx.msk [tilespmem:v49+s15+$0x0], $0xffff  }
0x29a: {  	v52 =	vor.u32 v27, v48;
	_ =	sdelay $0x3  }
0x29b: {  	v45 =	vor.u32 $0x800, v63;
	[tilespmem:v47+s23+$0x0] =	vst.idx.msk $0xffff, v46  }
0x29c: {  	v53 =	vor.u32 v3, v45;
	v46 =	vld.idx.msk [tilespmem:v52+s15+$0x0], $0xffff  }
0x29d: {  	v54 =	vor.u32 v28, v48;
	_ =	sdelay $0x3  }
0x29e: {  	[tilespmem:v53+s23+$0x0] =	vst.idx.msk $0xffff, v46  }
0x29f: {  	v55 =	vor.u32 v5, v45;
	v46 =	vld.idx.msk [tilespmem:v54+s15+$0x0], $0xffff  }
0x2a0: {  	v56 =	vor.u32 v29, v48;
	_ =	sdelay $0x3  }
0x2a1: {  	[tilespmem:v55+s23+$0x0] =	vst.idx.msk $0xffff, v46  }
0x2a2: {  	v57 =	vor.u32 v7, v45;
	v46 =	vld.idx.msk [tilespmem:v56+s15+$0x0], $0xffff  }
0x2a3: {  	v58 =	vor.u32 v30, v48;
	_ =	sdelay $0x3  }
0x2a4: {  	[tilespmem:v57+s23+$0x0] =	vst.idx.msk $0xffff, v46  }
0x2a5: {  	v59 =	vor.u32 v9, v45;
	v46 =	vld.idx.msk [tilespmem:v58+s15+$0x0], $0xffff  }
0x2a6: {  	v60 =	vor.u32 v31, v48;
	_ =	sdelay $0x3  }
0x2a7: {  	[tilespmem:v59+s23+$0x0] =	vst.idx.msk $0xffff, v46  }
0x2a8: {  	v61 =	vor.u32 v11, v45;
	v46 =	vld.idx.msk [tilespmem:v60+s15+$0x0], $0xffff  }
0x2a9: {  	v62 =	vor.u32 v32, v48;
	_ =	sdelay $0x3  }
0x2aa: {  	[tilespmem:v61+s23+$0x0] =	vst.idx.msk $0xffff, v46  }
0x2ab: {  	v63 =	vor.u32 v13, v45;
	v46 =	vld.idx.msk [tilespmem:v62+s15+$0x0], $0xffff  }
0x2ac: {  	v48 =	vor.u32 v33, v48;
	_ =	sdelay $0x3  }
0x2ad: {  	[tilespmem:v63+s23+$0x0] =	vst.idx.msk $0xffff, v46  }
0x2ae: {  	v45 =	vor.u32 v15, v45;
	v46 =	vld.idx.msk [tilespmem:v48+s15+$0x0], $0xffff  }
0x2af: {  	v49 =	vor.u32 v34, v43;
	_ =	sdelay $0x3  }
0x2b0: {  	[tilespmem:v45+s23+$0x0] =	vst.idx.msk $0xffff, v46  }
0x2b1: {  	v50 =	vor.u32 v35, v44;
	v45 =	vld.idx.msk [tilespmem:v49+s15+$0x0], $0xffff  }
0x2b2: {  	v51 =	vor.u32 v36, v43;
	_ =	sdelay $0x3  }
0x2b3: {  	v44 =	vor.u32 $0xC00, v44;
	[tilespmem:v50+s23+$0x0] =	vst.idx.msk $0xffff, v45  }
0x2b4: {  	v52 =	vor.u32 v3, v44;
	v45 =	vld.idx.msk [tilespmem:v51+s15+$0x0], $0xffff  }
0x2b5: {  	v53 =	vor.u32 v37, v43;
	_ =	sdelay $0x3  }
0x2b6: {  	[tilespmem:v52+s23+$0x0] =	vst.idx.msk $0xffff, v45  }
0x2b7: {  	v54 =	vor.u32 v5, v44;
	v45 =	vld.idx.msk [tilespmem:v53+s15+$0x0], $0xffff  }
0x2b8: {  	v55 =	vor.u32 v38, v43;
	_ =	sdelay $0x3  }
0x2b9: {  	[tilespmem:v54+s23+$0x0] =	vst.idx.msk $0xffff, v45  }
0x2ba: {  	v56 =	vor.u32 v7, v44;
	v45 =	vld.idx.msk [tilespmem:v55+s15+$0x0], $0xffff  }
0x2bb: {  	v57 =	vor.u32 v39, v43;
	_ =	sdelay $0x3  }
0x2bc: {  	[tilespmem:v56+s23+$0x0] =	vst.idx.msk $0xffff, v45  }
0x2bd: {  	v58 =	vor.u32 v9, v44;
	v45 =	vld.idx.msk [tilespmem:v57+s15+$0x0], $0xffff  }
0x2be: {  	v59 =	vor.u32 v40, v43;
	_ =	sdelay $0x3  }
0x2bf: {  	[tilespmem:v58+s23+$0x0] =	vst.idx.msk $0xffff, v45  }
0x2c0: {  	v60 =	vor.u32 v11, v44;
	v45 =	vld.idx.msk [tilespmem:v59+s15+$0x0], $0xffff  }
0x2c1: {  	v61 =	vor.u32 v41, v43;
	_ =	sdelay $0x3  }
0x2c2: {  	[tilespmem:v60+s23+$0x0] =	vst.idx.msk $0xffff, v45  }
0x2c3: {  	v62 =	vor.u32 v13, v44;
	v45 =	vld.idx.msk [tilespmem:v61+s15+$0x0], $0xffff  }
0x2c4: {  	v63 =	vor.u32 v42, v43;
	_ =	sdelay $0x3  }
0x2c5: {  	[tilespmem:v62+s23+$0x0] =	vst.idx.msk $0xffff, v45  }
0x2c6: {  	v45 =	vadd.s32 s0, v0;
	s0 =	simm.s32 $0x2;
	v43 =	vld.idx.msk [tilespmem:v63+s15+$0x0], $0xffff  }
.LBB2_21:
0x2c7: {  	p0 =	sne.s32 s0, $0x1F;
	v46 =	vand.u32 $0x1F, v45;
	v44 =	vor.u32 v15, v44  }
0x2c8: {  	v47 =	vor.u32 v34, v46;
	_ =	sdelay $0x2  }
0x2c9: {  	v48 =	vshll.u32 v45, $0x9;
	v45 =	vshll.u32 v45, $0x7  }
0x2ca: {  	v48 =	vand.u32 $0x3000, v48;
	v45 =	vand.u32 $0x380, v45;
	[tilespmem:v44+s23+$0x0] =	vst.idx.msk $0xffff, v43  }
0x2cb: {  	v44 =	vor.u32 v45, v48;
	v43 =	vld.idx.msk [tilespmem:v47+s15+$0x0], $0xffff  }
0x2cc: {  	v45 =	vor.u32 v35, v44  }
0x2cd: {  	v47 =	vor.u32 v36, v46;
	_ =	sdelay $0x3  }
0x2ce: {  	[tilespmem:v45+s23+$0x0] =	vst.idx.msk $0xffff, v43  }
0x2cf: {  	v44 =	vor.u32 $0xC00, v44;
	v43 =	vld.idx.msk [tilespmem:v47+s15+$0x0], $0xffff  }
0x2d0: {  	v45 =	vor.u32 v3, v44  }
0x2d1: {  	v47 =	vor.u32 v37, v46;
	_ =	sdelay $0x3  }
0x2d2: {  	[tilespmem:v45+s23+$0x0] =	vst.idx.msk $0xffff, v43  }
0x2d3: {  	v43 =	vld.idx.msk [tilespmem:v47+s15+$0x0], $0xffff  }
0x2d4: {  	v45 =	vor.u32 v5, v44  }
0x2d5: {  	v47 =	vor.u32 v38, v46;
	_ =	sdelay $0x3  }
0x2d6: {  	[tilespmem:v45+s23+$0x0] =	vst.idx.msk $0xffff, v43  }
0x2d7: {  	v43 =	vld.idx.msk [tilespmem:v47+s15+$0x0], $0xffff  }
0x2d8: {  	v45 =	vor.u32 v7, v44  }
0x2d9: {  	v47 =	vor.u32 v39, v46;
	_ =	sdelay $0x3  }
0x2da: {  	[tilespmem:v45+s23+$0x0] =	vst.idx.msk $0xffff, v43  }
0x2db: {  	v43 =	vld.idx.msk [tilespmem:v47+s15+$0x0], $0xffff  }
0x2dc: {  	v45 =	vor.u32 v9, v44  }
0x2dd: {  	v47 =	vor.u32 v40, v46;
	_ =	sdelay $0x3  }
0x2de: {  	[tilespmem:v45+s23+$0x0] =	vst.idx.msk $0xffff, v43  }
0x2df: {  	v43 =	vld.idx.msk [tilespmem:v47+s15+$0x0], $0xffff  }
0x2e0: {  	v45 =	vor.u32 v11, v44  }
0x2e1: {  	v47 =	vor.u32 v41, v46;
	_ =	sdelay $0x3  }
0x2e2: {  	[tilespmem:v45+s23+$0x0] =	vst.idx.msk $0xffff, v43  }
0x2e3: {  	v43 =	vld.idx.msk [tilespmem:v47+s15+$0x0], $0xffff  }
0x2e4: {  	v45 =	vor.u32 v13, v44  }
0x2e5: {  	v46 =	vor.u32 v42, v46  }
.Ltmp10:
0x2e6: {  	(pc) =	sbr.rel @p0 .LBB2_21-.Ltmp10, $3  }
0x2e7: {  	_ =	sdelay $0x1  }
0x2e8: {  	[tilespmem:v45+s23+$0x0] =	vst.idx.msk $0xffff, v43  }
0x2e9: {  	v45 =	vadd.s32 s0, v0;
	s0 =	sadd.s32 $0x1, s0;
	v43 =	vld.idx.msk [tilespmem:v46+s15+$0x0], $0xffff  }
0x2ea: {  	v46 =	vand.u32 $0x1F, v45;
	v44 =	vor.u32 v15, v44  }
0x2eb: {  	v47 =	vor.u32 v34, v46;
	_ =	sdelay $0x1  }
0x2ec: {  	v48 =	vshll.u32 v45, $0x9;
	v63 =	vshll.u32 v45, $0x7  }
0x2ed: {  	v48 =	vand.u32 $0x3000, v48;
	v45 =	vand.u32 $0x380, v63  }
0x2ee: {  	v51 =	vor.u32 v45, v48;
	[tilespmem:v44+s23+$0x0] =	vst.idx.msk $0xffff, v43  }
0x2ef: {  	v45 =	vor.u32 v35, v51;
	v44 =	vld.idx.msk [tilespmem:v47+s15+$0x0], $0xffff  }
0x2f0: {  	v52 =	vor.u32 v36, v46;
	_ =	sdelay $0x3  }
0x2f1: {  	v43 =	vor.u32 $0xC00, v51;
	[tilespmem:v45+s23+$0x0] =	vst.idx.msk $0xffff, v44  }
0x2f2: {  	v53 =	vor.u32 v3, v43;
	v44 =	vld.idx.msk [tilespmem:v52+s15+$0x0], $0xffff  }
0x2f3: {  	v54 =	vor.u32 v37, v46;
	_ =	sdelay $0x3  }
0x2f4: {  	[tilespmem:v53+s23+$0x0] =	vst.idx.msk $0xffff, v44  }
0x2f5: {  	v55 =	vor.u32 v5, v43;
	v44 =	vld.idx.msk [tilespmem:v54+s15+$0x0], $0xffff  }
0x2f6: {  	v56 =	vor.u32 v38, v46;
	_ =	sdelay $0x3  }
0x2f7: {  	[tilespmem:v55+s23+$0x0] =	vst.idx.msk $0xffff, v44  }
0x2f8: {  	v57 =	vor.u32 v7, v43;
	v44 =	vld.idx.msk [tilespmem:v56+s15+$0x0], $0xffff  }
0x2f9: {  	v58 =	vor.u32 v39, v46;
	_ =	sdelay $0x3  }
0x2fa: {  	[tilespmem:v57+s23+$0x0] =	vst.idx.msk $0xffff, v44  }
0x2fb: {  	v59 =	vor.u32 v9, v43;
	v44 =	vld.idx.msk [tilespmem:v58+s15+$0x0], $0xffff  }
0x2fc: {  	v60 =	vor.u32 v40, v46;
	_ =	sdelay $0x3  }
0x2fd: {  	[tilespmem:v59+s23+$0x0] =	vst.idx.msk $0xffff, v44  }
0x2fe: {  	v61 =	vor.u32 v11, v43;
	v44 =	vld.idx.msk [tilespmem:v60+s15+$0x0], $0xffff  }
0x2ff: {  	v62 =	vor.u32 v41, v46;
	_ =	sdelay $0x3  }
0x300: {  	[tilespmem:v61+s23+$0x0] =	vst.idx.msk $0xffff, v44  }
0x301: {  	v63 =	vor.u32 v13, v43;
	v44 =	vld.idx.msk [tilespmem:v62+s15+$0x0], $0xffff  }
0x302: {  	v46 =	vor.u32 v42, v46;
	_ =	sdelay $0x3  }
0x303: {  	[tilespmem:v63+s23+$0x0] =	vst.idx.msk $0xffff, v44  }
0x304: {  	v43 =	vor.u32 v15, v43;
	v44 =	vld.idx.msk [tilespmem:v46+s15+$0x0], $0xffff;
	_ =	sdelay $0x1  }
0x305: {  	s0 =	sshll.u32 s31, $0x13  }
0x306: {  	s0 =	sor.u32 s6, s0  }
0x307: {  	s0 =	sshrl.u32 s0, $0x3  }
0x308: {  	s30 =	sadd.s32 $0x1, s30;
	s2 =	sadd.s32 s1, s0;
	[tilespmem:v43+s23+$0x0] =	vst.idx.msk $0xffff, v44  }
0x309: {  	[hbm4b:s2+s3] =	stream.linear.scatter [tilespmem:s23], [sflag:$0x4], $0x1000, $0x38;
	[tilespmem:$0x13400] =	vst v63  }
0x30a: {  	p0 =	sne.s32 s30, $0xD;
	s31 =	sadd.s32 s0, s7  }
0x30b: {  	[hbm4b:s31+s3] =	stream.linear.scatter [tilespmem:s24], [sflag:$0x4], $0x1000, $0x38;
	[tilespmem:$0x13400] =	vst v63  }
.Ltmp11:
0x30c: {  	_ = 	snop;
	(pc) =	sbr.rel @p0 .LBB2_2-.Ltmp11, $4  }
0x30d: {  	s31 =	sadd.s32 s0, s8  }
0x30e: {  	[hbm4b:s31+s3] =	stream.linear.scatter [tilespmem:s25], [sflag:$0x4], $0x1000, $0x38;
	[tilespmem:$0x13400] =	vst v63  }
0x30f: {  	s0 =	sadd.s32 s0, s9  }
0x310: {  	[hbm4b:s0+s3] =	stream.linear.scatter [tilespmem:s26], [sflag:$0x4], $0x1000, $0x38;
	[tilespmem:$0x13400] =	vst v63  }
0x311: {  	_ =	swait.ge [sflag:s28], $0x1000  }
0x312: {  	[sflag:s28] =	ssyncset.done $0x0  }
0x313: {  	[sflag:s28] =	ssyncadd.s32 $0xFFFFF000  }
0x314: {  	_ =	swait.ge [sflag:s28], $0x1000  }
0x315: {  	[sflag:s28] =	ssyncset.done $0x0  }
0x316: {  	[sflag:s28] =	ssyncadd.s32 $0xFFFFF000  }
0x317: {  	_ =	swait.ge [sflag:s28], $0x1000  }
0x318: {  	[sflag:s28] =	ssyncset.done $0x0  }
0x319: {  	[sflag:s28] =	ssyncadd.s32 $0xFFFFF000  }
0x31a: {  	_ =	swait.ge [sflag:s28], $0x1000  }
0x31b: {  	[sflag:s28] =	ssyncset.done $0x0  }
0x31c: {  	[sflag:s28] =	ssyncadd.s32 $0xFFFFF000  }
0x31d: {  	_ =	swait.ge [sflag:s22], $0x1000  }
0x31e: {  	[sflag:s22] =	ssyncset.done $0x0  }
0x31f: {  	[sflag:s22] =	ssyncadd.s32 $0xFFFFF000  }
0x320: {  	_ =	swait.ge [sflag:s22], $0x1000  }
0x321: {  	[sflag:s22] =	ssyncset.done $0x0  }
0x322: {  	s29 =	sadd.s32 $0x1, s29;
	[sflag:s22] =	ssyncadd.s32 $0xFFFFF000  }
0x323: {  	p0 =	sne.s32 s29, s10;
	_ =	swait.ge [sflag:s22], $0x1000  }
.Ltmp12:
0x324: {  	[sflag:s22] =	ssyncset.done $0x0;
	(pc) =	sbr.rel @p0 .LBB2_1-.Ltmp12, $4  }
0x325: {  	[sflag:s22] =	ssyncadd.s32 $0xFFFFF000  }
0x326: {  	_ =	swait.ge [sflag:s22], $0x1000  }
0x327: {  	[sflag:s22] =	ssyncset.done $0x0  }
0x328: {  	[sflag:s22] =	ssyncadd.s32 $0xFFFFF000  }
0x329: {  	_ =	sfence.sel $0x180000  }
0x32a: {  	[bflag:$0x0] =	sbarrier.arrive $0xFFFF  }
0x32b: {  	_ =	strace $0x90000047  }
0x32c: {  	s0 =	stileid.u32;
	[bflag:$0x2] =	sbarrier.arrive $0xFFFF  }
0x32d: {  	p0 =	sne.s32 s0, $0x0;
	s0 =	rddreg [dreg:$0x2]  }
0x32e: {  	s0 =	sadd.s32 @!p0 $0x100000, s0  }
0x32f: {  	[sflag:s0] =	ssyncadd.tile.s32 @!p0 $0x1;
	_ =	shalt  }
.Lfunc_end2:
_tile_overlayer_lowered:
.L_overlay_start_2:
0x330: {  	(tag) =	ssettag $0x2  }
0x331: {  	s0 =	rddreg [dreg:$0x0];
	s2 =	stileid.u32  }
0x332: {  	s1 =	rddreg [dreg:$0x1];
	p0 =	sne.s32 s2, $0x0  }
0x333: {  	s3 =	rddreg [dreg:$0x2];
	[bflag:$0x3] =	sbarrier.arrive $0xFFFF;
	s2 =	simm.s32 @!p0 $0x1C05  }
0x334: {  	[timem:s3], [sflag:s2] =	dma.local @!p0 [hbm:s0], s1  }
0x335: {  	s0 =	simm.s32 @!p0 $0x5  }
0x336: {  	_ =	swait.ge @!p0 [sflag:s0], s1  }
0x337: {  	s1 =	ssub.s32 @!p0 $0x0, s1;
	[sflag:s0] =	ssyncset.done @!p0 $0x0  }
0x338: {  	[sflag:s0] =	ssyncadd.s32 @!p0 s1  }
0x339: {  	[bflag:$0x3] =	sbarrier.arrive $0xFFFF  }
0x33a: {  	_ =	shalt  }

</sc_bundles>
